<compile_context>
chip_gen: v7x
topology: tpu7x:2x2x1
jax: 0.10.2.dev20260603
libtpu: 0.0.44.dev20260713+nightly
codegen_flags: <defaults>
</compile_context>

<pallas_src>
import functools

import jax
import jax.numpy as jnp
from jax import lax
from jax.experimental import pallas as pl
from jax.experimental.pallas import tpu as pltpu
from jax.experimental.pallas import tpu_sc as plsc

_N = 10000
_E = 320000
_NR = 80
_NSUB = 16
_SPT = _NR // _NSUB
_NB = _E // 128
_BPT = _NB // _NSUB
_NXTRA = _NB - _BPT * _NSUB


def _sc_segsums(ei3, zeros):
    mesh = plsc.VectorSubcoreMesh(
        core_axis_name="c", subcore_axis_name="s", num_cores=1
    )

    @functools.partial(
        pl.kernel,
        out_type=[
            jax.ShapeDtypeStruct((_NR, 128), jnp.float32),
            jax.ShapeDtypeStruct((_NR, 128), jnp.float32),
        ],
        mesh=mesh,
        compiler_params=pltpu.CompilerParams(needs_layout_passes=False),
        scratch_types=[
            pltpu.VMEM((_BPT, 2, 128), jnp.int32),
            pltpu.VMEM((1, 2, 128), jnp.int32),
            pltpu.VMEM((_NR, 128), jnp.float32),
            pltpu.VMEM((_NR, 128), jnp.float32),
            pltpu.VMEM((_SPT, 128), jnp.float32),
            pltpu.VMEM((_SPT, 128), jnp.float32),
            pltpu.VMEM((_NR,), jnp.int32),
            pltpu.VMEM_SHARED((_NR, 128), jnp.float32),
        ],
    )
    def body(ei_hbm, zeros_hbm, u_out, w_out,
             ei_t, ei_x, tbl, acc, t5a, t5b, rows, sh):
        c = lax.axis_index("c")
        s = lax.axis_index("s")
        stripe = pl.ds(s * _SPT, _SPT)
        is_leader = jnp.logical_and(s == 0, c == 0)
        has_extra = s < _NXTRA

        for b in range(_NR // 16):
            rows[pl.ds(b * 16, 16)] = lax.iota(jnp.int32, 16) + 16 * b

        pltpu.sync_copy(ei_hbm.at[pl.ds(s * _BPT, _BPT)], ei_t)

        @pl.when(has_extra)
        def _():
            pltpu.sync_copy(ei_hbm.at[pl.ds(_BPT * _NSUB + s, 1)], ei_x)

        pltpu.sync_copy(zeros_hbm, acc)

        @pl.when(s == 0)
        def _():
            pltpu.sync_copy(zeros_hbm, sh)

        plsc.subcore_barrier()

        ones16 = jnp.ones((16,), jnp.float32)

        @plsc.parallel_loop(0, _BPT, 1)
        def _(j):
            for h in range(8):
                dv = ei_t[j, 1, pl.ds(h * 16, 16)]
                plsc.addupdate_scatter(acc, [dv >> 7, dv & 127], ones16)

        @pl.when(has_extra)
        def _():
            for h in range(8):
                dv = ei_x[0, 1, pl.ds(h * 16, 16)]
                plsc.addupdate_scatter(acc, [dv >> 7, dv & 127], ones16)

        pltpu.sync_copy(acc, sh.at[rows], add=True)
        plsc.subcore_barrier()

        pltpu.sync_copy(sh.at[stripe], t5a)

        def recip_body(k, carry):
            i = k >> 3
            jc = (k & 7) * 16
            v = t5a[i, pl.ds(jc, 16)]
            rv = 1.0 / jnp.maximum(v, 1.0)
            t5a[i, pl.ds(jc, 16)] = rv
            t5b[i, pl.ds(jc, 16)] = rv
            return carry

        lax.fori_loop(0, _SPT * 8, recip_body, 0)
        pltpu.sync_copy(t5a, sh.at[stripe])
        plsc.subcore_barrier()
        pltpu.sync_copy(sh, tbl)
        pltpu.sync_copy(zeros_hbm, acc)
        plsc.subcore_barrier()

        @pl.when(s == 0)
        def _():
            pltpu.sync_copy(zeros_hbm, sh)

        plsc.subcore_barrier()

        def p_gather_body(j):
            dvs = [ei_t[j, 1, pl.ds(h * 16, 16)] for h in range(8)]
            svs = [ei_t[j, 0, pl.ds(h * 16, 16)] for h in range(8)]
            vs = [plsc.load_gather(tbl, [dv >> 7, dv & 127]) for dv in dvs]
            for h in range(8):
                sv = svs[h]
                plsc.addupdate_scatter(acc, [sv >> 7, sv & 127], vs[h])

        def p_gather_extra():
            for h in range(8):
                dv = ei_x[0, 1, pl.ds(h * 16, 16)]
                sv = ei_x[0, 0, pl.ds(h * 16, 16)]
                vs = plsc.load_gather(tbl, [dv >> 7, dv & 127])
                plsc.addupdate_scatter(acc, [sv >> 7, sv & 127], vs)

        def p_gather(_unused=None):
            plsc.parallel_loop(0, _BPT, 1)(p_gather_body)

        p_gather()
        pl.when(has_extra)(p_gather_extra)
        pltpu.sync_copy(acc, sh.at[rows], add=True)
        plsc.subcore_barrier()

        @pl.when(is_leader)
        def _():
            pltpu.sync_copy(sh, u_out)

        pltpu.sync_copy(sh.at[stripe], t5a)

        def q_body(k, carry):
            i = k >> 3
            jc = (k & 7) * 16
            t5a[i, pl.ds(jc, 16)] = t5a[i, pl.ds(jc, 16)] * t5b[i, pl.ds(jc, 16)]
            return carry

        lax.fori_loop(0, _SPT * 8, q_body, 0)
        plsc.subcore_barrier()
        pltpu.sync_copy(t5a, sh.at[stripe])
        plsc.subcore_barrier()
        pltpu.sync_copy(sh, tbl)
        pltpu.sync_copy(zeros_hbm, acc)
        plsc.subcore_barrier()

        @pl.when(s == 0)
        def _():
            pltpu.sync_copy(zeros_hbm, sh)

        plsc.subcore_barrier()

        p_gather()
        pl.when(has_extra)(p_gather_extra)
        pltpu.sync_copy(acc, sh.at[rows], add=True)
        plsc.subcore_barrier()

        @pl.when(is_leader)
        def _():
            pltpu.sync_copy(sh, w_out)

    return body(ei3, zeros)


def _tc_final(u_row, w_row, x, W1l, b1l, W1r, W2l, b2l, W2r, Wc, bc):

    def body(u_ref, w_ref, x_ref, w1l_ref, b1l_ref, w1r_ref, w2l_ref, b2l_ref,
             w2r_ref, wc_ref, bc_ref, out_ref):
        f32 = jnp.float32
        uw_rows = jnp.concatenate(
            [jnp.ones((1, _N), f32), u_ref[...], w_ref[...]], axis=0
        )
        R = jnp.dot(uw_rows, x_ref[...], preferred_element_type=f32, precision=lax.Precision.HIGHEST)
        A = jnp.dot(R, w1l_ref[...], preferred_element_type=f32, precision=lax.Precision.HIGHEST)
        B = jnp.dot(R, w1r_ref[...], preferred_element_type=f32, precision=lax.Precision.HIGHEST)
        sum_u = jnp.sum(u_ref[...])
        b1 = b1l_ref[...]
        sum_h1 = A[1:2, :] + _N * b1 + B[0:1, :]
        uth1 = A[2:3, :] + sum_u * b1 + B[1:2, :]
        T = jnp.concatenate([sum_h1, uth1], axis=0)
        C2 = jnp.dot(T, w2l_ref[...], preferred_element_type=f32, precision=lax.Precision.HIGHEST)
        D2 = jnp.dot(T, w2r_ref[...], preferred_element_type=f32, precision=lax.Precision.HIGHEST)
        sum_h2 = C2[1:2, :] + _N * b2l_ref[...] + D2[0:1, :]
        out_ref[...] = (
            jnp.dot(sum_h2 * (1.0 / _N), wc_ref[...], preferred_element_type=f32, precision=lax.Precision.HIGHEST)
            + bc_ref[...]
        )

    return pl.pallas_call(
        body,
        out_shape=jax.ShapeDtypeStruct((1, 64), jnp.float32),
    )(u_row, w_row, x, W1l, b1l, W1r, W2l, b2l, W2r, Wc, bc)


def kernel(x, edge_index, W1l, b1l, W1r, W2l, b2l, W2r, Wc, bc):
    ei3 = edge_index.reshape(2, _NB, 128).swapaxes(0, 1)
    zeros = jnp.zeros((_NR, 128), jnp.float32)
    u2d, w2d = _sc_segsums(ei3, zeros)
    u_row = u2d.reshape(1, _NR * 128)[:, :_N]
    w_row = w2d.reshape(1, _NR * 128)[:, :_N]
    return _tc_final(u_row, w_row, x, W1l, b1l[None, :], W1r, W2l,
                     b2l[None, :], W2r, Wc, bc[None, :])

# --- scband reference (transcript-rebuilt; emitter-appended) ---
"""Pipeline reference for scband-sagegraph-20126216749290 (READ-ONLY COPY).

The authoritative reference and input builder live on the scoring server;
editing this copy changes nothing except your own understanding.
"""

import jax, jax.numpy as jnp
import numpy as np

N = 10000
E = 320000
F = 128
D = 128
C = 64


def setup_inputs(seed: int = 0) -> dict:
    key = jax.random.key(seed)
    ks = jax.random.split(key, 12)
    x = jax.random.normal(ks[0], (N, F), dtype=jnp.float32)
    edge_index = jax.random.randint(ks[1], (2, E), 0, N, dtype=jnp.int32)
    s1 = 1.0 / np.sqrt(F)
    s2 = 1.0 / np.sqrt(D)
    # SAGEConv1: lin_l (applied to aggregated neighbors, with bias), lin_r (applied to root, no bias)
    W1l = jax.random.normal(ks[2], (F, D), dtype=jnp.float32) * s1
    b1l = jnp.zeros((D,), dtype=jnp.float32)
    W1r = jax.random.normal(ks[3], (F, D), dtype=jnp.float32) * s1
    # SAGEConv2
    W2l = jax.random.normal(ks[4], (D, D), dtype=jnp.float32) * s2
    b2l = jnp.zeros((D,), dtype=jnp.float32)
    W2r = jax.random.normal(ks[5], (D, D), dtype=jnp.float32) * s2
    # final classifier Linear(embed_dim, num_classes)
    Wc = jax.random.normal(ks[6], (D, C), dtype=jnp.float32) * s2
    bc = jnp.zeros((C,), dtype=jnp.float32)
    return {"x": x, "edge_index": edge_index, "W1l": W1l, "b1l": b1l, "W1r": W1r,
            "W2l": W2l, "b2l": b2l, "W2r": W2r, "Wc": Wc, "bc": bc}


def _sage_conv(x, src, dst, Wl, bl, Wr):
    # mean aggregation of neighbor messages onto dst nodes
    msgs = jnp.take(x, src, axis=0)                       # gather [E, d]
    agg = jax.ops.segment_sum(msgs, dst, num_segments=N)  # scatter-add [N, d]
    cnt = jax.ops.segment_sum(jnp.ones((E, 1), dtype=x.dtype), dst, num_segments=N)
    mean = agg / jnp.clip(cnt, 1.0)
    return mean @ Wl + bl + x @ Wr


def reference(x, edge_index, W1l, b1l, W1r, W2l, b2l, W2r, Wc, bc):
    src = edge_index[0]
    dst = edge_index[1]
    h = _sage_conv(x, src, dst, W1l, b1l, W1r)
    h = _sage_conv(h, src, dst, W2l, b2l, W2r)
    pooled = jnp.mean(h, axis=0, keepdims=True)  # global_mean_pool, batch=None -> [1, D]
    out = pooled @ Wc + bc                       # [1, C]
    return out

if __name__ == "__main__":
    import jax
    _d = setup_inputs()
    print(jax.jit(kernel)(*tuple(_d.values())))

</pallas_src>

<mosaic_0001>
#map = affine_map<(d0, d1) -> (0, 0, 0)>
#map1 = affine_map<(d0, d1) -> (0, 0)>
module attributes {stable_mosaic.version = 14 : i64} {
  func.func @body(%arg0: i32, %arg1: i32, %arg2: memref<2500x2x128xi32, #tpu.memory_space<hbm>>, %arg3: memref<80x128xf32, #tpu.memory_space<hbm>>, %arg4: memref<80x128xf32, #tpu.memory_space<hbm>>, %arg5: memref<80x128xf32, #tpu.memory_space<hbm>>, %arg6: memref<156x2x128xi32, #tpu.memory_space<vmem>>, %arg7: memref<1x2x128xi32, #tpu.memory_space<vmem>>, %arg8: memref<80x128xf32, #tpu.memory_space<vmem>>, %arg9: memref<80x128xf32, #tpu.memory_space<vmem>>, %arg10: memref<5x128xf32, #tpu.memory_space<vmem>>, %arg11: memref<5x128xf32, #tpu.memory_space<vmem>>, %arg12: memref<80xi32, #tpu.memory_space<vmem>>, %arg13: memref<80x128xf32, #tpu.memory_space<vmem_shared>>) attributes {dimension_semantics = [#tpu.dimension_semantics<core_parallel>, #tpu.dimension_semantics<subcore_parallel>], iteration_bounds = array<i64: 1, 16>, scalar_prefetch = 0 : i64, scratch_operands = 8 : i64, tpu.core_type = #tpu.core_type<sc_vector_subcore>, window_params = [{transform_indices = #map}, {transform_indices = #map1}, {transform_indices = #map1}, {transform_indices = #map1}]} {
    %mul3A = arith.constant 5 : i32
    %mul3A_0 = arith.muli %arg1, %mul3A : i32
    %eq3A = arith.constant 0 : i32
    %eq3A_1 = arith.cmpi eq, %arg1, %eq3A : i32
    %eq3A_2 = arith.constant 0 : i32
    %eq3A_3 = arith.cmpi eq, %arg0, %eq3A_2 : i32
    %and3A = arith.andi %eq3A_1, %eq3A_3 : i1
    %lt3A = arith.constant 4 : i32
    %lt3A_4 = arith.cmpi slt, %arg1, %lt3A : i32
    %iota3A = tpu.iota {dimensions = array<i32: 0>} : vector<16xi32>
    %add3A = arith.constant 0 : i32
    %add3A_5 = vector.broadcast %add3A : i32 to vector<16xi32>
    %add3A_6 = arith.addi %iota3A, %add3A_5 : vector<16xi32>
    %swap3A = arith.constant 0 : index
    %swap3A_7 = tpu.vector_load %arg12[%swap3A] {strides = array<i32>} : memref<80xi32, #tpu.memory_space<vmem>>, vector<16xi32>,
    tpu.vector_store %arg12[%swap3A], %add3A_6 {strides = array<i32>} : memref<80xi32, #tpu.memory_space<vmem>>, vector<16xi32>,
    %iota3A_8 = tpu.iota {dimensions = array<i32: 0>} : vector<16xi32>
    %add3A_9 = arith.constant 16 : i32
    %add3A_10 = vector.broadcast %add3A_9 : i32 to vector<16xi32>
    %add3A_11 = arith.addi %iota3A_8, %add3A_10 : vector<16xi32>
    %swap3A_12 = arith.constant 16 : index
    %swap3A_13 = tpu.vector_load %arg12[%swap3A_12] {strides = array<i32>} : memref<80xi32, #tpu.memory_space<vmem>>, vector<16xi32>,
    tpu.vector_store %arg12[%swap3A_12], %add3A_11 {strides = array<i32>} : memref<80xi32, #tpu.memory_space<vmem>>, vector<16xi32>,
    %iota3A_14 = tpu.iota {dimensions = array<i32: 0>} : vector<16xi32>
    %add3A_15 = arith.constant 32 : i32
    %add3A_16 = vector.broadcast %add3A_15 : i32 to vector<16xi32>
    %add3A_17 = arith.addi %iota3A_14, %add3A_16 : vector<16xi32>
    %swap3A_18 = arith.constant 32 : index
    %swap3A_19 = tpu.vector_load %arg12[%swap3A_18] {strides = array<i32>} : memref<80xi32, #tpu.memory_space<vmem>>, vector<16xi32>,
    tpu.vector_store %arg12[%swap3A_18], %add3A_17 {strides = array<i32>} : memref<80xi32, #tpu.memory_space<vmem>>, vector<16xi32>,
    %iota3A_20 = tpu.iota {dimensions = array<i32: 0>} : vector<16xi32>
    %add3A_21 = arith.constant 48 : i32
    %add3A_22 = vector.broadcast %add3A_21 : i32 to vector<16xi32>
    %add3A_23 = arith.addi %iota3A_20, %add3A_22 : vector<16xi32>
    %swap3A_24 = arith.constant 48 : index
    %swap3A_25 = tpu.vector_load %arg12[%swap3A_24] {strides = array<i32>} : memref<80xi32, #tpu.memory_space<vmem>>, vector<16xi32>,
    tpu.vector_store %arg12[%swap3A_24], %add3A_23 {strides = array<i32>} : memref<80xi32, #tpu.memory_space<vmem>>, vector<16xi32>,
    %iota3A_26 = tpu.iota {dimensions = array<i32: 0>} : vector<16xi32>
    %add3A_27 = arith.constant 64 : i32
    %add3A_28 = vector.broadcast %add3A_27 : i32 to vector<16xi32>
    %add3A_29 = arith.addi %iota3A_26, %add3A_28 : vector<16xi32>
    %swap3A_30 = arith.constant 64 : index
    %swap3A_31 = tpu.vector_load %arg12[%swap3A_30] {strides = array<i32>} : memref<80xi32, #tpu.memory_space<vmem>>, vector<16xi32>,
    tpu.vector_store %arg12[%swap3A_30], %add3A_29 {strides = array<i32>} : memref<80xi32, #tpu.memory_space<vmem>>, vector<16xi32>,
    %mul3A_32 = arith.constant 156 : i32
    %mul3A_33 = arith.muli %arg1, %mul3A_32 : i32
    "tpu.region"() ({
      %run_scoped3A = tpu.sem_alloc : memref<!tpu.dma_semaphore, #tpu.memory_space<semaphore_mem>>
      %dma_start3A = arith.constant 0 : i32
      %dma_start3A_95 = arith.constant 0 : i32
      %dma_start3A_96 = tpu.memref_slice %arg2[%mul3A_33, %dma_start3A, %dma_start3A_95] : memref<2500x2x128xi32, #tpu.memory_space<hbm>> -> memref<156x2x128xi32, #tpu.memory_space<hbm>>
      %dma_start3A_97 = arith.constant 0 : i32
      %dma_start3A_98 = arith.constant 0 : i32
      %dma_start3A_99 = tpu.memref_slice %arg2[%mul3A_33, %dma_start3A_97, %dma_start3A_98] : memref<2500x2x128xi32, #tpu.memory_space<hbm>> -> memref<156x2x128xi32, #tpu.memory_space<hbm>>
      tpu.enqueue_dma source(%dma_start3A_99 : memref<156x2x128xi32, #tpu.memory_space<hbm>>) target(%arg6 : memref<156x2x128xi32, #tpu.memory_space<vmem>>) target_semaphore(%run_scoped3A : memref<!tpu.dma_semaphore, #tpu.memory_space<semaphore_mem>>)
      %dma_wait3A = arith.constant 0 : i32
      %dma_wait3A_100 = arith.constant 0 : i32
      %dma_wait3A_101 = tpu.memref_slice %arg2[%mul3A_33, %dma_wait3A, %dma_wait3A_100] : memref<2500x2x128xi32, #tpu.memory_space<hbm>> -> memref<156x2x128xi32, #tpu.memory_space<hbm>>
      %dma_wait3A_102 = arith.constant 0 : i32
      %dma_wait3A_103 = arith.constant 0 : i32
      %dma_wait3A_104 = tpu.memref_slice %arg2[%mul3A_33, %dma_wait3A_102, %dma_wait3A_103] : memref<2500x2x128xi32, #tpu.memory_space<hbm>> -> memref<156x2x128xi32, #tpu.memory_space<hbm>>
      tpu.wait_dma2 semaphore(%run_scoped3A : memref<!tpu.dma_semaphore, #tpu.memory_space<semaphore_mem>>) src(%dma_wait3A_104 : memref<156x2x128xi32, #tpu.memory_space<hbm>>) dst(%arg6 : memref<156x2x128xi32, #tpu.memory_space<vmem>>)
      tpu.yield
    }) : () -> ()
    %convert_element_type3A = arith.extui %lt3A_4 : i1 to i32
    %cond3A = arith.constant 0 : i32
    %cond3A_34 = arith.cmpi ne, %convert_element_type3A, %cond3A : i32
    scf.if %cond3A_34 {
      %add3A_95 = arith.constant 2496 : i32
      %add3A_96 = arith.addi %add3A_95, %arg1 : i32
      "tpu.region"() ({
        %run_scoped3A = tpu.sem_alloc : memref<!tpu.dma_semaphore, #tpu.memory_space<semaphore_mem>>
        %dma_start3A = arith.constant 0 : i32
        %dma_start3A_97 = arith.constant 0 : i32
        %dma_start3A_98 = tpu.memref_slice %arg2[%add3A_96, %dma_start3A, %dma_start3A_97] : memref<2500x2x128xi32, #tpu.memory_space<hbm>> -> memref<1x2x128xi32, #tpu.memory_space<hbm>>
        %dma_start3A_99 = arith.constant 0 : i32
        %dma_start3A_100 = arith.constant 0 : i32
        %dma_start3A_101 = tpu.memref_slice %arg2[%add3A_96, %dma_start3A_99, %dma_start3A_100] : memref<2500x2x128xi32, #tpu.memory_space<hbm>> -> memref<1x2x128xi32, #tpu.memory_space<hbm>>
        tpu.enqueue_dma source(%dma_start3A_101 : memref<1x2x128xi32, #tpu.memory_space<hbm>>) target(%arg7 : memref<1x2x128xi32, #tpu.memory_space<vmem>>) target_semaphore(%run_scoped3A : memref<!tpu.dma_semaphore, #tpu.memory_space<semaphore_mem>>)
        %dma_wait3A = arith.constant 0 : i32
        %dma_wait3A_102 = arith.constant 0 : i32
        %dma_wait3A_103 = tpu.memref_slice %arg2[%add3A_96, %dma_wait3A, %dma_wait3A_102] : memref<2500x2x128xi32, #tpu.memory_space<hbm>> -> memref<1x2x128xi32, #tpu.memory_space<hbm>>
        %dma_wait3A_104 = arith.constant 0 : i32
        %dma_wait3A_105 = arith.constant 0 : i32
        %dma_wait3A_106 = tpu.memref_slice %arg2[%add3A_96, %dma_wait3A_104, %dma_wait3A_105] : memref<2500x2x128xi32, #tpu.memory_space<hbm>> -> memref<1x2x128xi32, #tpu.memory_space<hbm>>
        tpu.wait_dma2 semaphore(%run_scoped3A : memref<!tpu.dma_semaphore, #tpu.memory_space<semaphore_mem>>) src(%dma_wait3A_106 : memref<1x2x128xi32, #tpu.memory_space<hbm>>) dst(%arg7 : memref<1x2x128xi32, #tpu.memory_space<vmem>>)
        tpu.yield
      }) : () -> ()
    } else {
    }
    "tpu.region"() ({
      %run_scoped3A = tpu.sem_alloc : memref<!tpu.dma_semaphore, #tpu.memory_space<semaphore_mem>>
      tpu.enqueue_dma source(%arg3 : memref<80x128xf32, #tpu.memory_space<hbm>>) target(%arg9 : memref<80x128xf32, #tpu.memory_space<vmem>>) target_semaphore(%run_scoped3A : memref<!tpu.dma_semaphore, #tpu.memory_space<semaphore_mem>>)
      tpu.wait_dma2 semaphore(%run_scoped3A : memref<!tpu.dma_semaphore, #tpu.memory_space<semaphore_mem>>) src(%arg3 : memref<80x128xf32, #tpu.memory_space<hbm>>) dst(%arg9 : memref<80x128xf32, #tpu.memory_space<vmem>>)
      tpu.yield
    }) : () -> ()
    %eq3A_35 = arith.constant 0 : i32
    %eq3A_36 = arith.cmpi eq, %arg1, %eq3A_35 : i32
    %convert_element_type3A_37 = arith.extui %eq3A_36 : i1 to i32
    %cond3A_38 = arith.constant 0 : i32
    %cond3A_39 = arith.cmpi ne, %convert_element_type3A_37, %cond3A_38 : i32
    scf.if %cond3A_39 {
      "tpu.region"() ({
        %run_scoped3A = tpu.sem_alloc : memref<!tpu.dma_semaphore, #tpu.memory_space<semaphore_mem>>
        tpu.enqueue_dma source(%arg3 : memref<80x128xf32, #tpu.memory_space<hbm>>) target(%arg13 : memref<80x128xf32, #tpu.memory_space<vmem_shared>>) target_semaphore(%run_scoped3A : memref<!tpu.dma_semaphore, #tpu.memory_space<semaphore_mem>>)
        tpu.wait_dma2 semaphore(%run_scoped3A : memref<!tpu.dma_semaphore, #tpu.memory_space<semaphore_mem>>) src(%arg3 : memref<80x128xf32, #tpu.memory_space<hbm>>) dst(%arg13 : memref<80x128xf32, #tpu.memory_space<vmem_shared>>)
        tpu.yield
      }) : () -> ()
    } else {
    }
    %barrier3A = arith.constant 0 : index
    tpu.barrier barrier_id(%barrier3A)
    %broadcast_in_dim3A = arith.constant 1.000000e+00 : f32
    %broadcast_in_dim3A_40 = vector.broadcast %broadcast_in_dim3A : f32 to vector<16xf32>
    %parallel_loop3A = arith.constant 0 : i32
    %parallel_loop3A_41 = arith.constant 156 : i32
    %parallel_loop3A_42 = arith.constant 1 : i32
    scf.for %parallel_loop3A_95 = %parallel_loop3A to %parallel_loop3A_41 step %parallel_loop3A_42  : i32 {
      %parallel_loop3A_96 = arith.constant 1 : i32
      %parallel_loop3A_97 = arith.index_cast %parallel_loop3A_95 : i32 to index
      %parallel_loop3A_98 = arith.index_cast %parallel_loop3A_96 : i32 to index
      %parallel_loop3A_99 = arith.constant 0 : index
      %parallel_loop3A_100 = tpu.vector_load %arg6[%parallel_loop3A_97, %parallel_loop3A_98, %parallel_loop3A_99] {strides = array<i32>} : memref<156x2x128xi32, #tpu.memory_space<vmem>>, vector<16xi32>,
      %parallel_loop3A_101 = arith.constant 7 : i32
      %parallel_loop3A_102 = vector.broadcast %parallel_loop3A_101 : i32 to vector<16xi32>
      %parallel_loop3A_103 = arith.shrsi %parallel_loop3A_100, %parallel_loop3A_102 : vector<16xi32>
      %parallel_loop3A_104 = arith.constant 127 : i32
      %parallel_loop3A_105 = vector.broadcast %parallel_loop3A_104 : i32 to vector<16xi32>
      %parallel_loop3A_106 = arith.andi %parallel_loop3A_100, %parallel_loop3A_105 : vector<16xi32>
      tpu.vector_store_idx %arg9[%parallel_loop3A_103, %parallel_loop3A_106], %broadcast_in_dim3A_40 {add = true} : memref<80x128xf32, #tpu.memory_space<vmem>>[vector<16xi32>, vector<16xi32>], vector<16xf32>,
      %parallel_loop3A_107 = arith.constant 1 : i32
      %parallel_loop3A_108 = arith.index_cast %parallel_loop3A_95 : i32 to index
      %parallel_loop3A_109 = arith.index_cast %parallel_loop3A_107 : i32 to index
      %parallel_loop3A_110 = arith.constant 16 : index
      %parallel_loop3A_111 = tpu.vector_load %arg6[%parallel_loop3A_108, %parallel_loop3A_109, %parallel_loop3A_110] {strides = array<i32>} : memref<156x2x128xi32, #tpu.memory_space<vmem>>, vector<16xi32>,
      %parallel_loop3A_112 = arith.constant 7 : i32
      %parallel_loop3A_113 = vector.broadcast %parallel_loop3A_112 : i32 to vector<16xi32>
      %parallel_loop3A_114 = arith.shrsi %parallel_loop3A_111, %parallel_loop3A_113 : vector<16xi32>
      %parallel_loop3A_115 = arith.constant 127 : i32
      %parallel_loop3A_116 = vector.broadcast %parallel_loop3A_115 : i32 to vector<16xi32>
      %parallel_loop3A_117 = arith.andi %parallel_loop3A_111, %parallel_loop3A_116 : vector<16xi32>
      tpu.vector_store_idx %arg9[%parallel_loop3A_114, %parallel_loop3A_117], %broadcast_in_dim3A_40 {add = true} : memref<80x128xf32, #tpu.memory_space<vmem>>[vector<16xi32>, vector<16xi32>], vector<16xf32>,
      %parallel_loop3A_118 = arith.constant 1 : i32
      %parallel_loop3A_119 = arith.index_cast %parallel_loop3A_95 : i32 to index
      %parallel_loop3A_120 = arith.index_cast %parallel_loop3A_118 : i32 to index
      %parallel_loop3A_121 = arith.constant 32 : index
      %parallel_loop3A_122 = tpu.vector_load %arg6[%parallel_loop3A_119, %parallel_loop3A_120, %parallel_loop3A_121] {strides = array<i32>} : memref<156x2x128xi32, #tpu.memory_space<vmem>>, vector<16xi32>,
      %parallel_loop3A_123 = arith.constant 7 : i32
      %parallel_loop3A_124 = vector.broadcast %parallel_loop3A_123 : i32 to vector<16xi32>
      %parallel_loop3A_125 = arith.shrsi %parallel_loop3A_122, %parallel_loop3A_124 : vector<16xi32>
      %parallel_loop3A_126 = arith.constant 127 : i32
      %parallel_loop3A_127 = vector.broadcast %parallel_loop3A_126 : i32 to vector<16xi32>
      %parallel_loop3A_128 = arith.andi %parallel_loop3A_122, %parallel_loop3A_127 : vector<16xi32>
      tpu.vector_store_idx %arg9[%parallel_loop3A_125, %parallel_loop3A_128], %broadcast_in_dim3A_40 {add = true} : memref<80x128xf32, #tpu.memory_space<vmem>>[vector<16xi32>, vector<16xi32>], vector<16xf32>,
      %parallel_loop3A_129 = arith.constant 1 : i32
      %parallel_loop3A_130 = arith.index_cast %parallel_loop3A_95 : i32 to index
      %parallel_loop3A_131 = arith.index_cast %parallel_loop3A_129 : i32 to index
      %parallel_loop3A_132 = arith.constant 48 : index
      %parallel_loop3A_133 = tpu.vector_load %arg6[%parallel_loop3A_130, %parallel_loop3A_131, %parallel_loop3A_132] {strides = array<i32>} : memref<156x2x128xi32, #tpu.memory_space<vmem>>, vector<16xi32>,
      %parallel_loop3A_134 = arith.constant 7 : i32
      %parallel_loop3A_135 = vector.broadcast %parallel_loop3A_134 : i32 to vector<16xi32>
      %parallel_loop3A_136 = arith.shrsi %parallel_loop3A_133, %parallel_loop3A_135 : vector<16xi32>
      %parallel_loop3A_137 = arith.constant 127 : i32
      %parallel_loop3A_138 = vector.broadcast %parallel_loop3A_137 : i32 to vector<16xi32>
      %parallel_loop3A_139 = arith.andi %parallel_loop3A_133, %parallel_loop3A_138 : vector<16xi32>
      tpu.vector_store_idx %arg9[%parallel_loop3A_136, %parallel_loop3A_139], %broadcast_in_dim3A_40 {add = true} : memref<80x128xf32, #tpu.memory_space<vmem>>[vector<16xi32>, vector<16xi32>], vector<16xf32>,
      %parallel_loop3A_140 = arith.constant 1 : i32
      %parallel_loop3A_141 = arith.index_cast %parallel_loop3A_95 : i32 to index
      %parallel_loop3A_142 = arith.index_cast %parallel_loop3A_140 : i32 to index
      %parallel_loop3A_143 = arith.constant 64 : index
      %parallel_loop3A_144 = tpu.vector_load %arg6[%parallel_loop3A_141, %parallel_loop3A_142, %parallel_loop3A_143] {strides = array<i32>} : memref<156x2x128xi32, #tpu.memory_space<vmem>>, vector<16xi32>,
      %parallel_loop3A_145 = arith.constant 7 : i32
      %parallel_loop3A_146 = vector.broadcast %parallel_loop3A_145 : i32 to vector<16xi32>
      %parallel_loop3A_147 = arith.shrsi %parallel_loop3A_144, %parallel_loop3A_146 : vector<16xi32>
      %parallel_loop3A_148 = arith.constant 127 : i32
      %parallel_loop3A_149 = vector.broadcast %parallel_loop3A_148 : i32 to vector<16xi32>
      %parallel_loop3A_150 = arith.andi %parallel_loop3A_144, %parallel_loop3A_149 : vector<16xi32>
      tpu.vector_store_idx %arg9[%parallel_loop3A_147, %parallel_loop3A_150], %broadcast_in_dim3A_40 {add = true} : memref<80x128xf32, #tpu.memory_space<vmem>>[vector<16xi32>, vector<16xi32>], vector<16xf32>,
      %parallel_loop3A_151 = arith.constant 1 : i32
      %parallel_loop3A_152 = arith.index_cast %parallel_loop3A_95 : i32 to index
      %parallel_loop3A_153 = arith.index_cast %parallel_loop3A_151 : i32 to index
      %parallel_loop3A_154 = arith.constant 80 : index
      %parallel_loop3A_155 = tpu.vector_load %arg6[%parallel_loop3A_152, %parallel_loop3A_153, %parallel_loop3A_154] {strides = array<i32>} : memref<156x2x128xi32, #tpu.memory_space<vmem>>, vector<16xi32>,
      %parallel_loop3A_156 = arith.constant 7 : i32
      %parallel_loop3A_157 = vector.broadcast %parallel_loop3A_156 : i32 to vector<16xi32>
      %parallel_loop3A_158 = arith.shrsi %parallel_loop3A_155, %parallel_loop3A_157 : vector<16xi32>
      %parallel_loop3A_159 = arith.constant 127 : i32
      %parallel_loop3A_160 = vector.broadcast %parallel_loop3A_159 : i32 to vector<16xi32>
      %parallel_loop3A_161 = arith.andi %parallel_loop3A_155, %parallel_loop3A_160 : vector<16xi32>
      tpu.vector_store_idx %arg9[%parallel_loop3A_158, %parallel_loop3A_161], %broadcast_in_dim3A_40 {add = true} : memref<80x128xf32, #tpu.memory_space<vmem>>[vector<16xi32>, vector<16xi32>], vector<16xf32>,
      %parallel_loop3A_162 = arith.constant 1 : i32
      %parallel_loop3A_163 = arith.index_cast %parallel_loop3A_95 : i32 to index
      %parallel_loop3A_164 = arith.index_cast %parallel_loop3A_162 : i32 to index
      %parallel_loop3A_165 = arith.constant 96 : index
      %parallel_loop3A_166 = tpu.vector_load %arg6[%parallel_loop3A_163, %parallel_loop3A_164, %parallel_loop3A_165] {strides = array<i32>} : memref<156x2x128xi32, #tpu.memory_space<vmem>>, vector<16xi32>,
      %parallel_loop3A_167 = arith.constant 7 : i32
      %parallel_loop3A_168 = vector.broadcast %parallel_loop3A_167 : i32 to vector<16xi32>
      %parallel_loop3A_169 = arith.shrsi %parallel_loop3A_166, %parallel_loop3A_168 : vector<16xi32>
      %parallel_loop3A_170 = arith.constant 127 : i32
      %parallel_loop3A_171 = vector.broadcast %parallel_loop3A_170 : i32 to vector<16xi32>
      %parallel_loop3A_172 = arith.andi %parallel_loop3A_166, %parallel_loop3A_171 : vector<16xi32>
      tpu.vector_store_idx %arg9[%parallel_loop3A_169, %parallel_loop3A_172], %broadcast_in_dim3A_40 {add = true} : memref<80x128xf32, #tpu.memory_space<vmem>>[vector<16xi32>, vector<16xi32>], vector<16xf32>,
      %parallel_loop3A_173 = arith.constant 1 : i32
      %parallel_loop3A_174 = arith.index_cast %parallel_loop3A_95 : i32 to index
      %parallel_loop3A_175 = arith.index_cast %parallel_loop3A_173 : i32 to index
      %parallel_loop3A_176 = arith.constant 112 : index
      %parallel_loop3A_177 = tpu.vector_load %arg6[%parallel_loop3A_174, %parallel_loop3A_175, %parallel_loop3A_176] {strides = array<i32>} : memref<156x2x128xi32, #tpu.memory_space<vmem>>, vector<16xi32>,
      %parallel_loop3A_178 = arith.constant 7 : i32
      %parallel_loop3A_179 = vector.broadcast %parallel_loop3A_178 : i32 to vector<16xi32>
      %parallel_loop3A_180 = arith.shrsi %parallel_loop3A_177, %parallel_loop3A_179 : vector<16xi32>
      %parallel_loop3A_181 = arith.constant 127 : i32
      %parallel_loop3A_182 = vector.broadcast %parallel_loop3A_181 : i32 to vector<16xi32>
      %parallel_loop3A_183 = arith.andi %parallel_loop3A_177, %parallel_loop3A_182 : vector<16xi32>
      tpu.vector_store_idx %arg9[%parallel_loop3A_180, %parallel_loop3A_183], %broadcast_in_dim3A_40 {add = true} : memref<80x128xf32, #tpu.memory_space<vmem>>[vector<16xi32>, vector<16xi32>], vector<16xf32>,
    } {sc.loop_unroll_factor = 1 : i64, sc.parallel_access}
    %convert_element_type3A_43 = arith.extui %lt3A_4 : i1 to i32
    %cond3A_44 = arith.constant 0 : i32
    %cond3A_45 = arith.cmpi ne, %convert_element_type3A_43, %cond3A_44 : i32
    scf.if %cond3A_45 {
      %get3A = arith.constant 0 : i32
      %get3A_95 = arith.constant 1 : i32
      %get3A_96 = arith.index_cast %get3A : i32 to index
      %get3A_97 = arith.index_cast %get3A_95 : i32 to index
      %get3A_98 = arith.constant 0 : index
      %get3A_99 = tpu.vector_load %arg7[%get3A_96, %get3A_97, %get3A_98] {strides = array<i32>} : memref<1x2x128xi32, #tpu.memory_space<vmem>>, vector<16xi32>,
      %shift_right_arithmetic3A = arith.constant 7 : i32
      %shift_right_arithmetic3A_100 = vector.broadcast %shift_right_arithmetic3A : i32 to vector<16xi32>
      %shift_right_arithmetic3A_101 = arith.shrsi %get3A_99, %shift_right_arithmetic3A_100 : vector<16xi32>
      %and3A_102 = arith.constant 127 : i32
      %and3A_103 = vector.broadcast %and3A_102 : i32 to vector<16xi32>
      %and3A_104 = arith.andi %get3A_99, %and3A_103 : vector<16xi32>
      tpu.vector_store_idx %arg9[%shift_right_arithmetic3A_101, %and3A_104], %broadcast_in_dim3A_40 {add = true} : memref<80x128xf32, #tpu.memory_space<vmem>>[vector<16xi32>, vector<16xi32>], vector<16xf32>,
      %get3A_105 = arith.constant 0 : i32
      %get3A_106 = arith.constant 1 : i32
      %get3A_107 = arith.index_cast %get3A_105 : i32 to index
      %get3A_108 = arith.index_cast %get3A_106 : i32 to index
      %get3A_109 = arith.constant 16 : index
      %get3A_110 = tpu.vector_load %arg7[%get3A_107, %get3A_108, %get3A_109] {strides = array<i32>} : memref<1x2x128xi32, #tpu.memory_space<vmem>>, vector<16xi32>,
      %shift_right_arithmetic3A_111 = arith.constant 7 : i32
      %shift_right_arithmetic3A_112 = vector.broadcast %shift_right_arithmetic3A_111 : i32 to vector<16xi32>
      %shift_right_arithmetic3A_113 = arith.shrsi %get3A_110, %shift_right_arithmetic3A_112 : vector<16xi32>
      %and3A_114 = arith.constant 127 : i32
      %and3A_115 = vector.broadcast %and3A_114 : i32 to vector<16xi32>
      %and3A_116 = arith.andi %get3A_110, %and3A_115 : vector<16xi32>
      tpu.vector_store_idx %arg9[%shift_right_arithmetic3A_113, %and3A_116], %broadcast_in_dim3A_40 {add = true} : memref<80x128xf32, #tpu.memory_space<vmem>>[vector<16xi32>, vector<16xi32>], vector<16xf32>,
      %get3A_117 = arith.constant 0 : i32
      %get3A_118 = arith.constant 1 : i32
      %get3A_119 = arith.index_cast %get3A_117 : i32 to index
      %get3A_120 = arith.index_cast %get3A_118 : i32 to index
      %get3A_121 = arith.constant 32 : index
      %get3A_122 = tpu.vector_load %arg7[%get3A_119, %get3A_120, %get3A_121] {strides = array<i32>} : memref<1x2x128xi32, #tpu.memory_space<vmem>>, vector<16xi32>,
      %shift_right_arithmetic3A_123 = arith.constant 7 : i32
      %shift_right_arithmetic3A_124 = vector.broadcast %shift_right_arithmetic3A_123 : i32 to vector<16xi32>
      %shift_right_arithmetic3A_125 = arith.shrsi %get3A_122, %shift_right_arithmetic3A_124 : vector<16xi32>
      %and3A_126 = arith.constant 127 : i32
      %and3A_127 = vector.broadcast %and3A_126 : i32 to vector<16xi32>
      %and3A_128 = arith.andi %get3A_122, %and3A_127 : vector<16xi32>
      tpu.vector_store_idx %arg9[%shift_right_arithmetic3A_125, %and3A_128], %broadcast_in_dim3A_40 {add = true} : memref<80x128xf32, #tpu.memory_space<vmem>>[vector<16xi32>, vector<16xi32>], vector<16xf32>,
      %get3A_129 = arith.constant 0 : i32
      %get3A_130 = arith.constant 1 : i32
      %get3A_131 = arith.index_cast %get3A_129 : i32 to index
      %get3A_132 = arith.index_cast %get3A_130 : i32 to index
      %get3A_133 = arith.constant 48 : index
      %get3A_134 = tpu.vector_load %arg7[%get3A_131, %get3A_132, %get3A_133] {strides = array<i32>} : memref<1x2x128xi32, #tpu.memory_space<vmem>>, vector<16xi32>,
      %shift_right_arithmetic3A_135 = arith.constant 7 : i32
      %shift_right_arithmetic3A_136 = vector.broadcast %shift_right_arithmetic3A_135 : i32 to vector<16xi32>
      %shift_right_arithmetic3A_137 = arith.shrsi %get3A_134, %shift_right_arithmetic3A_136 : vector<16xi32>
      %and3A_138 = arith.constant 127 : i32
      %and3A_139 = vector.broadcast %and3A_138 : i32 to vector<16xi32>
      %and3A_140 = arith.andi %get3A_134, %and3A_139 : vector<16xi32>
      tpu.vector_store_idx %arg9[%shift_right_arithmetic3A_137, %and3A_140], %broadcast_in_dim3A_40 {add = true} : memref<80x128xf32, #tpu.memory_space<vmem>>[vector<16xi32>, vector<16xi32>], vector<16xf32>,
      %get3A_141 = arith.constant 0 : i32
      %get3A_142 = arith.constant 1 : i32
      %get3A_143 = arith.index_cast %get3A_141 : i32 to index
      %get3A_144 = arith.index_cast %get3A_142 : i32 to index
      %get3A_145 = arith.constant 64 : index
      %get3A_146 = tpu.vector_load %arg7[%get3A_143, %get3A_144, %get3A_145] {strides = array<i32>} : memref<1x2x128xi32, #tpu.memory_space<vmem>>, vector<16xi32>,
      %shift_right_arithmetic3A_147 = arith.constant 7 : i32
      %shift_right_arithmetic3A_148 = vector.broadcast %shift_right_arithmetic3A_147 : i32 to vector<16xi32>
      %shift_right_arithmetic3A_149 = arith.shrsi %get3A_146, %shift_right_arithmetic3A_148 : vector<16xi32>
      %and3A_150 = arith.constant 127 : i32
      %and3A_151 = vector.broadcast %and3A_150 : i32 to vector<16xi32>
      %and3A_152 = arith.andi %get3A_146, %and3A_151 : vector<16xi32>
      tpu.vector_store_idx %arg9[%shift_right_arithmetic3A_149, %and3A_152], %broadcast_in_dim3A_40 {add = true} : memref<80x128xf32, #tpu.memory_space<vmem>>[vector<16xi32>, vector<16xi32>], vector<16xf32>,
      %get3A_153 = arith.constant 0 : i32
      %get3A_154 = arith.constant 1 : i32
      %get3A_155 = arith.index_cast %get3A_153 : i32 to index
      %get3A_156 = arith.index_cast %get3A_154 : i32 to index
      %get3A_157 = arith.constant 80 : index
      %get3A_158 = tpu.vector_load %arg7[%get3A_155, %get3A_156, %get3A_157] {strides = array<i32>} : memref<1x2x128xi32, #tpu.memory_space<vmem>>, vector<16xi32>,
      %shift_right_arithmetic3A_159 = arith.constant 7 : i32
      %shift_right_arithmetic3A_160 = vector.broadcast %shift_right_arithmetic3A_159 : i32 to vector<16xi32>
      %shift_right_arithmetic3A_161 = arith.shrsi %get3A_158, %shift_right_arithmetic3A_160 : vector<16xi32>
      %and3A_162 = arith.constant 127 : i32
      %and3A_163 = vector.broadcast %and3A_162 : i32 to vector<16xi32>
      %and3A_164 = arith.andi %get3A_158, %and3A_163 : vector<16xi32>
      tpu.vector_store_idx %arg9[%shift_right_arithmetic3A_161, %and3A_164], %broadcast_in_dim3A_40 {add = true} : memref<80x128xf32, #tpu.memory_space<vmem>>[vector<16xi32>, vector<16xi32>], vector<16xf32>,
      %get3A_165 = arith.constant 0 : i32
      %get3A_166 = arith.constant 1 : i32
      %get3A_167 = arith.index_cast %get3A_165 : i32 to index
      %get3A_168 = arith.index_cast %get3A_166 : i32 to index
      %get3A_169 = arith.constant 96 : index
      %get3A_170 = tpu.vector_load %arg7[%get3A_167, %get3A_168, %get3A_169] {strides = array<i32>} : memref<1x2x128xi32, #tpu.memory_space<vmem>>, vector<16xi32>,
      %shift_right_arithmetic3A_171 = arith.constant 7 : i32
      %shift_right_arithmetic3A_172 = vector.broadcast %shift_right_arithmetic3A_171 : i32 to vector<16xi32>
      %shift_right_arithmetic3A_173 = arith.shrsi %get3A_170, %shift_right_arithmetic3A_172 : vector<16xi32>
      %and3A_174 = arith.constant 127 : i32
      %and3A_175 = vector.broadcast %and3A_174 : i32 to vector<16xi32>
      %and3A_176 = arith.andi %get3A_170, %and3A_175 : vector<16xi32>
      tpu.vector_store_idx %arg9[%shift_right_arithmetic3A_173, %and3A_176], %broadcast_in_dim3A_40 {add = true} : memref<80x128xf32, #tpu.memory_space<vmem>>[vector<16xi32>, vector<16xi32>], vector<16xf32>,
      %get3A_177 = arith.constant 0 : i32
      %get3A_178 = arith.constant 1 : i32
      %get3A_179 = arith.index_cast %get3A_177 : i32 to index
      %get3A_180 = arith.index_cast %get3A_178 : i32 to index
      %get3A_181 = arith.constant 112 : index
      %get3A_182 = tpu.vector_load %arg7[%get3A_179, %get3A_180, %get3A_181] {strides = array<i32>} : memref<1x2x128xi32, #tpu.memory_space<vmem>>, vector<16xi32>,
      %shift_right_arithmetic3A_183 = arith.constant 7 : i32
      %shift_right_arithmetic3A_184 = vector.broadcast %shift_right_arithmetic3A_183 : i32 to vector<16xi32>
      %shift_right_arithmetic3A_185 = arith.shrsi %get3A_182, %shift_right_arithmetic3A_184 : vector<16xi32>
      %and3A_186 = arith.constant 127 : i32
      %and3A_187 = vector.broadcast %and3A_186 : i32 to vector<16xi32>
      %and3A_188 = arith.andi %get3A_182, %and3A_187 : vector<16xi32>
      tpu.vector_store_idx %arg9[%shift_right_arithmetic3A_185, %and3A_188], %broadcast_in_dim3A_40 {add = true} : memref<80x128xf32, #tpu.memory_space<vmem>>[vector<16xi32>, vector<16xi32>], vector<16xf32>,
    } else {
    }
    "tpu.region"() ({
      %run_scoped3A = tpu.sem_alloc : memref<!tpu.dma_semaphore, #tpu.memory_space<semaphore_mem>>
      %dma_start3A = arith.constant 0 : i32
      %dma_start3A_95 = arith.constant 0 : i32
      %dma_start3A_96 = tpu.memref_slice %arg13[%dma_start3A, %dma_start3A_95] : memref<80x128xf32, #tpu.memory_space<vmem_shared>> -> memref<80x128xf32, #tpu.memory_space<vmem_shared>>
      tpu.enqueue_indirect_dma source(%arg9 : memref<80x128xf32, #tpu.memory_space<vmem>>) target(%dma_start3A_96 : memref<80x128xf32, #tpu.memory_space<vmem_shared>>) offsets(%arg12 : memref<80xi32, #tpu.memory_space<vmem>>) semaphore(%run_scoped3A : memref<!tpu.dma_semaphore, #tpu.memory_space<semaphore_mem>>) {add = true}
      %dma_wait3A = arith.constant 0 : i32
      %dma_wait3A_97 = arith.constant 0 : i32
      %dma_wait3A_98 = tpu.memref_slice %arg13[%dma_wait3A, %dma_wait3A_97] : memref<80x128xf32, #tpu.memory_space<vmem_shared>> -> memref<80x128xf32, #tpu.memory_space<vmem_shared>>
      tpu.wait_indirect_dma semaphore(%run_scoped3A : memref<!tpu.dma_semaphore, #tpu.memory_space<semaphore_mem>>) src(%arg9 : memref<80x128xf32, #tpu.memory_space<vmem>>) dst(%dma_wait3A_98 : memref<80x128xf32, #tpu.memory_space<vmem_shared>>)
      tpu.yield
    }) : () -> ()
    %barrier3A_46 = arith.constant 0 : index
    tpu.barrier barrier_id(%barrier3A_46)
    "tpu.region"() ({
      %run_scoped3A = tpu.sem_alloc : memref<!tpu.dma_semaphore, #tpu.memory_space<semaphore_mem>>
      %dma_start3A = arith.constant 0 : i32
      %dma_start3A_95 = tpu.memref_slice %arg13[%mul3A_0, %dma_start3A] : memref<80x128xf32, #tpu.memory_space<vmem_shared>> -> memref<5x128xf32, #tpu.memory_space<vmem_shared>>
      %dma_start3A_96 = arith.constant 0 : i32
      %dma_start3A_97 = tpu.memref_slice %arg13[%mul3A_0, %dma_start3A_96] : memref<80x128xf32, #tpu.memory_space<vmem_shared>> -> memref<5x128xf32, #tpu.memory_space<vmem_shared>>
      tpu.enqueue_dma source(%dma_start3A_97 : memref<5x128xf32, #tpu.memory_space<vmem_shared>>) target(%arg10 : memref<5x128xf32, #tpu.memory_space<vmem>>) target_semaphore(%run_scoped3A : memref<!tpu.dma_semaphore, #tpu.memory_space<semaphore_mem>>)
      %dma_wait3A = arith.constant 0 : i32
      %dma_wait3A_98 = tpu.memref_slice %arg13[%mul3A_0, %dma_wait3A] : memref<80x128xf32, #tpu.memory_space<vmem_shared>> -> memref<5x128xf32, #tpu.memory_space<vmem_shared>>
      %dma_wait3A_99 = arith.constant 0 : i32
      %dma_wait3A_100 = tpu.memref_slice %arg13[%mul3A_0, %dma_wait3A_99] : memref<80x128xf32, #tpu.memory_space<vmem_shared>> -> memref<5x128xf32, #tpu.memory_space<vmem_shared>>
      tpu.wait_dma2 semaphore(%run_scoped3A : memref<!tpu.dma_semaphore, #tpu.memory_space<semaphore_mem>>) src(%dma_wait3A_100 : memref<5x128xf32, #tpu.memory_space<vmem_shared>>) dst(%arg10 : memref<5x128xf32, #tpu.memory_space<vmem>>)
      tpu.yield
    }) : () -> ()
    %scan3A = arith.constant 0 : i32
    %scan3A_47 = arith.constant 0 : i32
    %scan3A_48 = arith.constant 40 : i32
    %scan3A_49 = arith.addi %scan3A_47, %scan3A_48 : i32
    %scan3A_50 = arith.constant 1 : i32
    scf.for %scan3A_95 = %scan3A_47 to %scan3A_49 step %scan3A_50  : i32 {
      %shift_right_arithmetic3A = arith.constant 3 : i32
      %shift_right_arithmetic3A_96 = arith.shrsi %scan3A_95, %shift_right_arithmetic3A : i32
      %and3A_97 = arith.constant 7 : i32
      %and3A_98 = arith.andi %scan3A_95, %and3A_97 : i32
      %mul3A_99 = arith.constant 16 : i32
      %mul3A_100 = arith.muli %and3A_98, %mul3A_99 : i32
      %get3A = arith.index_cast %shift_right_arithmetic3A_96 : i32 to index
      %get3A_101 = arith.index_cast %mul3A_100 : i32 to index
      %get3A_102 = tpu.vector_load %arg10[%get3A, %get3A_101] {strides = array<i32>} : memref<5x128xf32, #tpu.memory_space<vmem>>, vector<16xf32>,
      %max3A = arith.constant 1.000000e+00 : f32
      %max3A_103 = vector.broadcast %max3A : f32 to vector<16xf32>
      %max3A_104 = arith.maximumf %get3A_102, %max3A_103 : vector<16xf32>
      %div3A = arith.constant 1.000000e+00 : f32
      %div3A_105 = vector.broadcast %div3A : f32 to vector<16xf32>
      %div3A_106 = arith.divf %div3A_105, %max3A_104 : vector<16xf32>
      %swap3A_107 = arith.index_cast %shift_right_arithmetic3A_96 : i32 to index
      %swap3A_108 = arith.index_cast %mul3A_100 : i32 to index
      %swap3A_109 = tpu.vector_load %arg10[%swap3A_107, %swap3A_108] {strides = array<i32>} : memref<5x128xf32, #tpu.memory_space<vmem>>, vector<16xf32>,
      tpu.vector_store %arg10[%swap3A_107, %swap3A_108], %div3A_106 {strides = array<i32>} : memref<5x128xf32, #tpu.memory_space<vmem>>, vector<16xf32>,
      %swap3A_110 = arith.index_cast %shift_right_arithmetic3A_96 : i32 to index
      %swap3A_111 = arith.index_cast %mul3A_100 : i32 to index
      %swap3A_112 = tpu.vector_load %arg11[%swap3A_110, %swap3A_111] {strides = array<i32>} : memref<5x128xf32, #tpu.memory_space<vmem>>, vector<16xf32>,
      tpu.vector_store %arg11[%swap3A_110, %swap3A_111], %div3A_106 {strides = array<i32>} : memref<5x128xf32, #tpu.memory_space<vmem>>, vector<16xf32>,
    }
    %scan3A_51 = arith.constant 40 : i32
    "tpu.region"() ({
      %run_scoped3A = tpu.sem_alloc : memref<!tpu.dma_semaphore, #tpu.memory_space<semaphore_mem>>
      %dma_start3A = arith.constant 0 : i32
      %dma_start3A_95 = tpu.memref_slice %arg13[%mul3A_0, %dma_start3A] : memref<80x128xf32, #tpu.memory_space<vmem_shared>> -> memref<5x128xf32, #tpu.memory_space<vmem_shared>>
      %dma_start3A_96 = arith.constant 0 : i32
      %dma_start3A_97 = tpu.memref_slice %arg13[%mul3A_0, %dma_start3A_96] : memref<80x128xf32, #tpu.memory_space<vmem_shared>> -> memref<5x128xf32, #tpu.memory_space<vmem_shared>>
      tpu.enqueue_dma source(%arg10 : memref<5x128xf32, #tpu.memory_space<vmem>>) target(%dma_start3A_97 : memref<5x128xf32, #tpu.memory_space<vmem_shared>>) target_semaphore(%run_scoped3A : memref<!tpu.dma_semaphore, #tpu.memory_space<semaphore_mem>>)
      %dma_wait3A = arith.constant 0 : i32
      %dma_wait3A_98 = tpu.memref_slice %arg13[%mul3A_0, %dma_wait3A] : memref<80x128xf32, #tpu.memory_space<vmem_shared>> -> memref<5x128xf32, #tpu.memory_space<vmem_shared>>
      %dma_wait3A_99 = arith.constant 0 : i32
      %dma_wait3A_100 = tpu.memref_slice %arg13[%mul3A_0, %dma_wait3A_99] : memref<80x128xf32, #tpu.memory_space<vmem_shared>> -> memref<5x128xf32, #tpu.memory_space<vmem_shared>>
      tpu.wait_dma2 semaphore(%run_scoped3A : memref<!tpu.dma_semaphore, #tpu.memory_space<semaphore_mem>>) src(%arg10 : memref<5x128xf32, #tpu.memory_space<vmem>>) dst(%dma_wait3A_100 : memref<5x128xf32, #tpu.memory_space<vmem_shared>>)
      tpu.yield
    }) : () -> ()
    %barrier3A_52 = arith.constant 0 : index
    tpu.barrier barrier_id(%barrier3A_52)
    "tpu.region"() ({
      %run_scoped3A = tpu.sem_alloc : memref<!tpu.dma_semaphore, #tpu.memory_space<semaphore_mem>>
      tpu.enqueue_dma source(%arg13 : memref<80x128xf32, #tpu.memory_space<vmem_shared>>) target(%arg8 : memref<80x128xf32, #tpu.memory_space<vmem>>) target_semaphore(%run_scoped3A : memref<!tpu.dma_semaphore, #tpu.memory_space<semaphore_mem>>)
      tpu.wait_dma2 semaphore(%run_scoped3A : memref<!tpu.dma_semaphore, #tpu.memory_space<semaphore_mem>>) src(%arg13 : memref<80x128xf32, #tpu.memory_space<vmem_shared>>) dst(%arg8 : memref<80x128xf32, #tpu.memory_space<vmem>>)
      tpu.yield
    }) : () -> ()
    "tpu.region"() ({
      %run_scoped3A = tpu.sem_alloc : memref<!tpu.dma_semaphore, #tpu.memory_space<semaphore_mem>>
      tpu.enqueue_dma source(%arg3 : memref<80x128xf32, #tpu.memory_space<hbm>>) target(%arg9 : memref<80x128xf32, #tpu.memory_space<vmem>>) target_semaphore(%run_scoped3A : memref<!tpu.dma_semaphore, #tpu.memory_space<semaphore_mem>>)
      tpu.wait_dma2 semaphore(%run_scoped3A : memref<!tpu.dma_semaphore, #tpu.memory_space<semaphore_mem>>) src(%arg3 : memref<80x128xf32, #tpu.memory_space<hbm>>) dst(%arg9 : memref<80x128xf32, #tpu.memory_space<vmem>>)
      tpu.yield
    }) : () -> ()
    %barrier3A_53 = arith.constant 0 : index
    tpu.barrier barrier_id(%barrier3A_53)
    %eq3A_54 = arith.constant 0 : i32
    %eq3A_55 = arith.cmpi eq, %arg1, %eq3A_54 : i32
    %convert_element_type3A_56 = arith.extui %eq3A_55 : i1 to i32
    %cond3A_57 = arith.constant 0 : i32
    %cond3A_58 = arith.cmpi ne, %convert_element_type3A_56, %cond3A_57 : i32
    scf.if %cond3A_58 {
      "tpu.region"() ({
        %run_scoped3A = tpu.sem_alloc : memref<!tpu.dma_semaphore, #tpu.memory_space<semaphore_mem>>
        tpu.enqueue_dma source(%arg3 : memref<80x128xf32, #tpu.memory_space<hbm>>) target(%arg13 : memref<80x128xf32, #tpu.memory_space<vmem_shared>>) target_semaphore(%run_scoped3A : memref<!tpu.dma_semaphore, #tpu.memory_space<semaphore_mem>>)
        tpu.wait_dma2 semaphore(%run_scoped3A : memref<!tpu.dma_semaphore, #tpu.memory_space<semaphore_mem>>) src(%arg3 : memref<80x128xf32, #tpu.memory_space<hbm>>) dst(%arg13 : memref<80x128xf32, #tpu.memory_space<vmem_shared>>)
        tpu.yield
      }) : () -> ()
    } else {
    }
    %barrier3A_59 = arith.constant 0 : index
    tpu.barrier barrier_id(%barrier3A_59)
    %parallel_loop3A_60 = arith.constant 0 : i32
    %parallel_loop3A_61 = arith.constant 156 : i32
    %parallel_loop3A_62 = arith.constant 1 : i32
    scf.for %parallel_loop3A_95 = %parallel_loop3A_60 to %parallel_loop3A_61 step %parallel_loop3A_62  : i32 {
      %parallel_loop3A_96 = arith.constant 1 : i32
      %parallel_loop3A_97 = arith.index_cast %parallel_loop3A_95 : i32 to index
      %parallel_loop3A_98 = arith.index_cast %parallel_loop3A_96 : i32 to index
      %parallel_loop3A_99 = arith.constant 0 : index
      %parallel_loop3A_100 = tpu.vector_load %arg6[%parallel_loop3A_97, %parallel_loop3A_98, %parallel_loop3A_99] {strides = array<i32>} : memref<156x2x128xi32, #tpu.memory_space<vmem>>, vector<16xi32>,
      %parallel_loop3A_101 = arith.constant 1 : i32
      %parallel_loop3A_102 = arith.index_cast %parallel_loop3A_95 : i32 to index
      %parallel_loop3A_103 = arith.index_cast %parallel_loop3A_101 : i32 to index
      %parallel_loop3A_104 = arith.constant 16 : index
      %parallel_loop3A_105 = tpu.vector_load %arg6[%parallel_loop3A_102, %parallel_loop3A_103, %parallel_loop3A_104] {strides = array<i32>} : memref<156x2x128xi32, #tpu.memory_space<vmem>>, vector<16xi32>,
      %parallel_loop3A_106 = arith.constant 1 : i32
      %parallel_loop3A_107 = arith.index_cast %parallel_loop3A_95 : i32 to index
      %parallel_loop3A_108 = arith.index_cast %parallel_loop3A_106 : i32 to index
      %parallel_loop3A_109 = arith.constant 32 : index
      %parallel_loop3A_110 = tpu.vector_load %arg6[%parallel_loop3A_107, %parallel_loop3A_108, %parallel_loop3A_109] {strides = array<i32>} : memref<156x2x128xi32, #tpu.memory_space<vmem>>, vector<16xi32>,
      %parallel_loop3A_111 = arith.constant 1 : i32
      %parallel_loop3A_112 = arith.index_cast %parallel_loop3A_95 : i32 to index
      %parallel_loop3A_113 = arith.index_cast %parallel_loop3A_111 : i32 to index
      %parallel_loop3A_114 = arith.constant 48 : index
      %parallel_loop3A_115 = tpu.vector_load %arg6[%parallel_loop3A_112, %parallel_loop3A_113, %parallel_loop3A_114] {strides = array<i32>} : memref<156x2x128xi32, #tpu.memory_space<vmem>>, vector<16xi32>,
      %parallel_loop3A_116 = arith.constant 1 : i32
      %parallel_loop3A_117 = arith.index_cast %parallel_loop3A_95 : i32 to index
      %parallel_loop3A_118 = arith.index_cast %parallel_loop3A_116 : i32 to index
      %parallel_loop3A_119 = arith.constant 64 : index
      %parallel_loop3A_120 = tpu.vector_load %arg6[%parallel_loop3A_117, %parallel_loop3A_118, %parallel_loop3A_119] {strides = array<i32>} : memref<156x2x128xi32, #tpu.memory_space<vmem>>, vector<16xi32>,
      %parallel_loop3A_121 = arith.constant 1 : i32
      %parallel_loop3A_122 = arith.index_cast %parallel_loop3A_95 : i32 to index
      %parallel_loop3A_123 = arith.index_cast %parallel_loop3A_121 : i32 to index
      %parallel_loop3A_124 = arith.constant 80 : index
      %parallel_loop3A_125 = tpu.vector_load %arg6[%parallel_loop3A_122, %parallel_loop3A_123, %parallel_loop3A_124] {strides = array<i32>} : memref<156x2x128xi32, #tpu.memory_space<vmem>>, vector<16xi32>,
      %parallel_loop3A_126 = arith.constant 1 : i32
      %parallel_loop3A_127 = arith.index_cast %parallel_loop3A_95 : i32 to index
      %parallel_loop3A_128 = arith.index_cast %parallel_loop3A_126 : i32 to index
      %parallel_loop3A_129 = arith.constant 96 : index
      %parallel_loop3A_130 = tpu.vector_load %arg6[%parallel_loop3A_127, %parallel_loop3A_128, %parallel_loop3A_129] {strides = array<i32>} : memref<156x2x128xi32, #tpu.memory_space<vmem>>, vector<16xi32>,
      %parallel_loop3A_131 = arith.constant 1 : i32
      %parallel_loop3A_132 = arith.index_cast %parallel_loop3A_95 : i32 to index
      %parallel_loop3A_133 = arith.index_cast %parallel_loop3A_131 : i32 to index
      %parallel_loop3A_134 = arith.constant 112 : index
      %parallel_loop3A_135 = tpu.vector_load %arg6[%parallel_loop3A_132, %parallel_loop3A_133, %parallel_loop3A_134] {strides = array<i32>} : memref<156x2x128xi32, #tpu.memory_space<vmem>>, vector<16xi32>,
      %parallel_loop3A_136 = arith.constant 0 : i32
      %parallel_loop3A_137 = arith.index_cast %parallel_loop3A_95 : i32 to index
      %parallel_loop3A_138 = arith.index_cast %parallel_loop3A_136 : i32 to index
      %parallel_loop3A_139 = arith.constant 0 : index
      %parallel_loop3A_140 = tpu.vector_load %arg6[%parallel_loop3A_137, %parallel_loop3A_138, %parallel_loop3A_139] {strides = array<i32>} : memref<156x2x128xi32, #tpu.memory_space<vmem>>, vector<16xi32>,
      %parallel_loop3A_141 = arith.constant 0 : i32
      %parallel_loop3A_142 = arith.index_cast %parallel_loop3A_95 : i32 to index
      %parallel_loop3A_143 = arith.index_cast %parallel_loop3A_141 : i32 to index
      %parallel_loop3A_144 = arith.constant 16 : index
      %parallel_loop3A_145 = tpu.vector_load %arg6[%parallel_loop3A_142, %parallel_loop3A_143, %parallel_loop3A_144] {strides = array<i32>} : memref<156x2x128xi32, #tpu.memory_space<vmem>>, vector<16xi32>,
      %parallel_loop3A_146 = arith.constant 0 : i32
      %parallel_loop3A_147 = arith.index_cast %parallel_loop3A_95 : i32 to index
      %parallel_loop3A_148 = arith.index_cast %parallel_loop3A_146 : i32 to index
      %parallel_loop3A_149 = arith.constant 32 : index
      %parallel_loop3A_150 = tpu.vector_load %arg6[%parallel_loop3A_147, %parallel_loop3A_148, %parallel_loop3A_149] {strides = array<i32>} : memref<156x2x128xi32, #tpu.memory_space<vmem>>, vector<16xi32>,
      %parallel_loop3A_151 = arith.constant 0 : i32
      %parallel_loop3A_152 = arith.index_cast %parallel_loop3A_95 : i32 to index
      %parallel_loop3A_153 = arith.index_cast %parallel_loop3A_151 : i32 to index
      %parallel_loop3A_154 = arith.constant 48 : index
      %parallel_loop3A_155 = tpu.vector_load %arg6[%parallel_loop3A_152, %parallel_loop3A_153, %parallel_loop3A_154] {strides = array<i32>} : memref<156x2x128xi32, #tpu.memory_space<vmem>>, vector<16xi32>,
      %parallel_loop3A_156 = arith.constant 0 : i32
      %parallel_loop3A_157 = arith.index_cast %parallel_loop3A_95 : i32 to index
      %parallel_loop3A_158 = arith.index_cast %parallel_loop3A_156 : i32 to index
      %parallel_loop3A_159 = arith.constant 64 : index
      %parallel_loop3A_160 = tpu.vector_load %arg6[%parallel_loop3A_157, %parallel_loop3A_158, %parallel_loop3A_159] {strides = array<i32>} : memref<156x2x128xi32, #tpu.memory_space<vmem>>, vector<16xi32>,
      %parallel_loop3A_161 = arith.constant 0 : i32
      %parallel_loop3A_162 = arith.index_cast %parallel_loop3A_95 : i32 to index
      %parallel_loop3A_163 = arith.index_cast %parallel_loop3A_161 : i32 to index
      %parallel_loop3A_164 = arith.constant 80 : index
      %parallel_loop3A_165 = tpu.vector_load %arg6[%parallel_loop3A_162, %parallel_loop3A_163, %parallel_loop3A_164] {strides = array<i32>} : memref<156x2x128xi32, #tpu.memory_space<vmem>>, vector<16xi32>,
      %parallel_loop3A_166 = arith.constant 0 : i32
      %parallel_loop3A_167 = arith.index_cast %parallel_loop3A_95 : i32 to index
      %parallel_loop3A_168 = arith.index_cast %parallel_loop3A_166 : i32 to index
      %parallel_loop3A_169 = arith.constant 96 : index
      %parallel_loop3A_170 = tpu.vector_load %arg6[%parallel_loop3A_167, %parallel_loop3A_168, %parallel_loop3A_169] {strides = array<i32>} : memref<156x2x128xi32, #tpu.memory_space<vmem>>, vector<16xi32>,
      %parallel_loop3A_171 = arith.constant 0 : i32
      %parallel_loop3A_172 = arith.index_cast %parallel_loop3A_95 : i32 to index
      %parallel_loop3A_173 = arith.index_cast %parallel_loop3A_171 : i32 to index
      %parallel_loop3A_174 = arith.constant 112 : index
      %parallel_loop3A_175 = tpu.vector_load %arg6[%parallel_loop3A_172, %parallel_loop3A_173, %parallel_loop3A_174] {strides = array<i32>} : memref<156x2x128xi32, #tpu.memory_space<vmem>>, vector<16xi32>,
      %parallel_loop3A_176 = arith.constant 7 : i32
      %parallel_loop3A_177 = vector.broadcast %parallel_loop3A_176 : i32 to vector<16xi32>
      %parallel_loop3A_178 = arith.shrsi %parallel_loop3A_100, %parallel_loop3A_177 : vector<16xi32>
      %parallel_loop3A_179 = arith.constant 127 : i32
      %parallel_loop3A_180 = vector.broadcast %parallel_loop3A_179 : i32 to vector<16xi32>
      %parallel_loop3A_181 = arith.andi %parallel_loop3A_100, %parallel_loop3A_180 : vector<16xi32>
      %parallel_loop3A_182 = tpu.vector_load_idx %arg8[%parallel_loop3A_178, %parallel_loop3A_181] : memref<80x128xf32, #tpu.memory_space<vmem>>[vector<16xi32>, vector<16xi32>], vector<16xf32>,
      %parallel_loop3A_183 = arith.constant 7 : i32
      %parallel_loop3A_184 = vector.broadcast %parallel_loop3A_183 : i32 to vector<16xi32>
      %parallel_loop3A_185 = arith.shrsi %parallel_loop3A_105, %parallel_loop3A_184 : vector<16xi32>
      %parallel_loop3A_186 = arith.constant 127 : i32
      %parallel_loop3A_187 = vector.broadcast %parallel_loop3A_186 : i32 to vector<16xi32>
      %parallel_loop3A_188 = arith.andi %parallel_loop3A_105, %parallel_loop3A_187 : vector<16xi32>
      %parallel_loop3A_189 = tpu.vector_load_idx %arg8[%parallel_loop3A_185, %parallel_loop3A_188] : memref<80x128xf32, #tpu.memory_space<vmem>>[vector<16xi32>, vector<16xi32>], vector<16xf32>,
      %parallel_loop3A_190 = arith.constant 7 : i32
      %parallel_loop3A_191 = vector.broadcast %parallel_loop3A_190 : i32 to vector<16xi32>
      %parallel_loop3A_192 = arith.shrsi %parallel_loop3A_110, %parallel_loop3A_191 : vector<16xi32>
      %parallel_loop3A_193 = arith.constant 127 : i32
      %parallel_loop3A_194 = vector.broadcast %parallel_loop3A_193 : i32 to vector<16xi32>
      %parallel_loop3A_195 = arith.andi %parallel_loop3A_110, %parallel_loop3A_194 : vector<16xi32>
      %parallel_loop3A_196 = tpu.vector_load_idx %arg8[%parallel_loop3A_192, %parallel_loop3A_195] : memref<80x128xf32, #tpu.memory_space<vmem>>[vector<16xi32>, vector<16xi32>], vector<16xf32>,
      %parallel_loop3A_197 = arith.constant 7 : i32
      %parallel_loop3A_198 = vector.broadcast %parallel_loop3A_197 : i32 to vector<16xi32>
      %parallel_loop3A_199 = arith.shrsi %parallel_loop3A_115, %parallel_loop3A_198 : vector<16xi32>
      %parallel_loop3A_200 = arith.constant 127 : i32
      %parallel_loop3A_201 = vector.broadcast %parallel_loop3A_200 : i32 to vector<16xi32>
      %parallel_loop3A_202 = arith.andi %parallel_loop3A_115, %parallel_loop3A_201 : vector<16xi32>
      %parallel_loop3A_203 = tpu.vector_load_idx %arg8[%parallel_loop3A_199, %parallel_loop3A_202] : memref<80x128xf32, #tpu.memory_space<vmem>>[vector<16xi32>, vector<16xi32>], vector<16xf32>,
      %parallel_loop3A_204 = arith.constant 7 : i32
      %parallel_loop3A_205 = vector.broadcast %parallel_loop3A_204 : i32 to vector<16xi32>
      %parallel_loop3A_206 = arith.shrsi %parallel_loop3A_120, %parallel_loop3A_205 : vector<16xi32>
      %parallel_loop3A_207 = arith.constant 127 : i32
      %parallel_loop3A_208 = vector.broadcast %parallel_loop3A_207 : i32 to vector<16xi32>
      %parallel_loop3A_209 = arith.andi %parallel_loop3A_120, %parallel_loop3A_208 : vector<16xi32>
      %parallel_loop3A_210 = tpu.vector_load_idx %arg8[%parallel_loop3A_206, %parallel_loop3A_209] : memref<80x128xf32, #tpu.memory_space<vmem>>[vector<16xi32>, vector<16xi32>], vector<16xf32>,
      %parallel_loop3A_211 = arith.constant 7 : i32
      %parallel_loop3A_212 = vector.broadcast %parallel_loop3A_211 : i32 to vector<16xi32>
      %parallel_loop3A_213 = arith.shrsi %parallel_loop3A_125, %parallel_loop3A_212 : vector<16xi32>
      %parallel_loop3A_214 = arith.constant 127 : i32
      %parallel_loop3A_215 = vector.broadcast %parallel_loop3A_214 : i32 to vector<16xi32>
      %parallel_loop3A_216 = arith.andi %parallel_loop3A_125, %parallel_loop3A_215 : vector<16xi32>
      %parallel_loop3A_217 = tpu.vector_load_idx %arg8[%parallel_loop3A_213, %parallel_loop3A_216] : memref<80x128xf32, #tpu.memory_space<vmem>>[vector<16xi32>, vector<16xi32>], vector<16xf32>,
      %parallel_loop3A_218 = arith.constant 7 : i32
      %parallel_loop3A_219 = vector.broadcast %parallel_loop3A_218 : i32 to vector<16xi32>
      %parallel_loop3A_220 = arith.shrsi %parallel_loop3A_130, %parallel_loop3A_219 : vector<16xi32>
      %parallel_loop3A_221 = arith.constant 127 : i32
      %parallel_loop3A_222 = vector.broadcast %parallel_loop3A_221 : i32 to vector<16xi32>
      %parallel_loop3A_223 = arith.andi %parallel_loop3A_130, %parallel_loop3A_222 : vector<16xi32>
      %parallel_loop3A_224 = tpu.vector_load_idx %arg8[%parallel_loop3A_220, %parallel_loop3A_223] : memref<80x128xf32, #tpu.memory_space<vmem>>[vector<16xi32>, vector<16xi32>], vector<16xf32>,
      %parallel_loop3A_225 = arith.constant 7 : i32
      %parallel_loop3A_226 = vector.broadcast %parallel_loop3A_225 : i32 to vector<16xi32>
      %parallel_loop3A_227 = arith.shrsi %parallel_loop3A_135, %parallel_loop3A_226 : vector<16xi32>
      %parallel_loop3A_228 = arith.constant 127 : i32
      %parallel_loop3A_229 = vector.broadcast %parallel_loop3A_228 : i32 to vector<16xi32>
      %parallel_loop3A_230 = arith.andi %parallel_loop3A_135, %parallel_loop3A_229 : vector<16xi32>
      %parallel_loop3A_231 = tpu.vector_load_idx %arg8[%parallel_loop3A_227, %parallel_loop3A_230] : memref<80x128xf32, #tpu.memory_space<vmem>>[vector<16xi32>, vector<16xi32>], vector<16xf32>,
      %parallel_loop3A_232 = arith.constant 7 : i32
      %parallel_loop3A_233 = vector.broadcast %parallel_loop3A_232 : i32 to vector<16xi32>
      %parallel_loop3A_234 = arith.shrsi %parallel_loop3A_140, %parallel_loop3A_233 : vector<16xi32>
      %parallel_loop3A_235 = arith.constant 127 : i32
      %parallel_loop3A_236 = vector.broadcast %parallel_loop3A_235 : i32 to vector<16xi32>
      %parallel_loop3A_237 = arith.andi %parallel_loop3A_140, %parallel_loop3A_236 : vector<16xi32>
      tpu.vector_store_idx %arg9[%parallel_loop3A_234, %parallel_loop3A_237], %parallel_loop3A_182 {add = true} : memref<80x128xf32, #tpu.memory_space<vmem>>[vector<16xi32>, vector<16xi32>], vector<16xf32>,
      %parallel_loop3A_238 = arith.constant 7 : i32
      %parallel_loop3A_239 = vector.broadcast %parallel_loop3A_238 : i32 to vector<16xi32>
      %parallel_loop3A_240 = arith.shrsi %parallel_loop3A_145, %parallel_loop3A_239 : vector<16xi32>
      %parallel_loop3A_241 = arith.constant 127 : i32
      %parallel_loop3A_242 = vector.broadcast %parallel_loop3A_241 : i32 to vector<16xi32>
      %parallel_loop3A_243 = arith.andi %parallel_loop3A_145, %parallel_loop3A_242 : vector<16xi32>
      tpu.vector_store_idx %arg9[%parallel_loop3A_240, %parallel_loop3A_243], %parallel_loop3A_189 {add = true} : memref<80x128xf32, #tpu.memory_space<vmem>>[vector<16xi32>, vector<16xi32>], vector<16xf32>,
      %parallel_loop3A_244 = arith.constant 7 : i32
      %parallel_loop3A_245 = vector.broadcast %parallel_loop3A_244 : i32 to vector<16xi32>
      %parallel_loop3A_246 = arith.shrsi %parallel_loop3A_150, %parallel_loop3A_245 : vector<16xi32>
      %parallel_loop3A_247 = arith.constant 127 : i32
      %parallel_loop3A_248 = vector.broadcast %parallel_loop3A_247 : i32 to vector<16xi32>
      %parallel_loop3A_249 = arith.andi %parallel_loop3A_150, %parallel_loop3A_248 : vector<16xi32>
      tpu.vector_store_idx %arg9[%parallel_loop3A_246, %parallel_loop3A_249], %parallel_loop3A_196 {add = true} : memref<80x128xf32, #tpu.memory_space<vmem>>[vector<16xi32>, vector<16xi32>], vector<16xf32>,
      %parallel_loop3A_250 = arith.constant 7 : i32
      %parallel_loop3A_251 = vector.broadcast %parallel_loop3A_250 : i32 to vector<16xi32>
      %parallel_loop3A_252 = arith.shrsi %parallel_loop3A_155, %parallel_loop3A_251 : vector<16xi32>
      %parallel_loop3A_253 = arith.constant 127 : i32
      %parallel_loop3A_254 = vector.broadcast %parallel_loop3A_253 : i32 to vector<16xi32>
      %parallel_loop3A_255 = arith.andi %parallel_loop3A_155, %parallel_loop3A_254 : vector<16xi32>
      tpu.vector_store_idx %arg9[%parallel_loop3A_252, %parallel_loop3A_255], %parallel_loop3A_203 {add = true} : memref<80x128xf32, #tpu.memory_space<vmem>>[vector<16xi32>, vector<16xi32>], vector<16xf32>,
      %parallel_loop3A_256 = arith.constant 7 : i32
      %parallel_loop3A_257 = vector.broadcast %parallel_loop3A_256 : i32 to vector<16xi32>
      %parallel_loop3A_258 = arith.shrsi %parallel_loop3A_160, %parallel_loop3A_257 : vector<16xi32>
      %parallel_loop3A_259 = arith.constant 127 : i32
      %parallel_loop3A_260 = vector.broadcast %parallel_loop3A_259 : i32 to vector<16xi32>
      %parallel_loop3A_261 = arith.andi %parallel_loop3A_160, %parallel_loop3A_260 : vector<16xi32>
      tpu.vector_store_idx %arg9[%parallel_loop3A_258, %parallel_loop3A_261], %parallel_loop3A_210 {add = true} : memref<80x128xf32, #tpu.memory_space<vmem>>[vector<16xi32>, vector<16xi32>], vector<16xf32>,
      %parallel_loop3A_262 = arith.constant 7 : i32
      %parallel_loop3A_263 = vector.broadcast %parallel_loop3A_262 : i32 to vector<16xi32>
      %parallel_loop3A_264 = arith.shrsi %parallel_loop3A_165, %parallel_loop3A_263 : vector<16xi32>
      %parallel_loop3A_265 = arith.constant 127 : i32
      %parallel_loop3A_266 = vector.broadcast %parallel_loop3A_265 : i32 to vector<16xi32>
      %parallel_loop3A_267 = arith.andi %parallel_loop3A_165, %parallel_loop3A_266 : vector<16xi32>
      tpu.vector_store_idx %arg9[%parallel_loop3A_264, %parallel_loop3A_267], %parallel_loop3A_217 {add = true} : memref<80x128xf32, #tpu.memory_space<vmem>>[vector<16xi32>, vector<16xi32>], vector<16xf32>,
      %parallel_loop3A_268 = arith.constant 7 : i32
      %parallel_loop3A_269 = vector.broadcast %parallel_loop3A_268 : i32 to vector<16xi32>
      %parallel_loop3A_270 = arith.shrsi %parallel_loop3A_170, %parallel_loop3A_269 : vector<16xi32>
      %parallel_loop3A_271 = arith.constant 127 : i32
      %parallel_loop3A_272 = vector.broadcast %parallel_loop3A_271 : i32 to vector<16xi32>
      %parallel_loop3A_273 = arith.andi %parallel_loop3A_170, %parallel_loop3A_272 : vector<16xi32>
      tpu.vector_store_idx %arg9[%parallel_loop3A_270, %parallel_loop3A_273], %parallel_loop3A_224 {add = true} : memref<80x128xf32, #tpu.memory_space<vmem>>[vector<16xi32>, vector<16xi32>], vector<16xf32>,
      %parallel_loop3A_274 = arith.constant 7 : i32
      %parallel_loop3A_275 = vector.broadcast %parallel_loop3A_274 : i32 to vector<16xi32>
      %parallel_loop3A_276 = arith.shrsi %parallel_loop3A_175, %parallel_loop3A_275 : vector<16xi32>
      %parallel_loop3A_277 = arith.constant 127 : i32
      %parallel_loop3A_278 = vector.broadcast %parallel_loop3A_277 : i32 to vector<16xi32>
      %parallel_loop3A_279 = arith.andi %parallel_loop3A_175, %parallel_loop3A_278 : vector<16xi32>
      tpu.vector_store_idx %arg9[%parallel_loop3A_276, %parallel_loop3A_279], %parallel_loop3A_231 {add = true} : memref<80x128xf32, #tpu.memory_space<vmem>>[vector<16xi32>, vector<16xi32>], vector<16xf32>,
    } {sc.loop_unroll_factor = 1 : i64, sc.parallel_access}
    %convert_element_type3A_63 = arith.extui %lt3A_4 : i1 to i32
    %cond3A_64 = arith.constant 0 : i32
    %cond3A_65 = arith.cmpi ne, %convert_element_type3A_63, %cond3A_64 : i32
    scf.if %cond3A_65 {
      %get3A = arith.constant 0 : i32
      %get3A_95 = arith.constant 1 : i32
      %get3A_96 = arith.index_cast %get3A : i32 to index
      %get3A_97 = arith.index_cast %get3A_95 : i32 to index
      %get3A_98 = arith.constant 0 : index
      %get3A_99 = tpu.vector_load %arg7[%get3A_96, %get3A_97, %get3A_98] {strides = array<i32>} : memref<1x2x128xi32, #tpu.memory_space<vmem>>, vector<16xi32>,
      %get3A_100 = arith.constant 0 : i32
      %get3A_101 = arith.constant 0 : i32
      %get3A_102 = arith.index_cast %get3A_100 : i32 to index
      %get3A_103 = arith.index_cast %get3A_101 : i32 to index
      %get3A_104 = arith.constant 0 : index
      %get3A_105 = tpu.vector_load %arg7[%get3A_102, %get3A_103, %get3A_104] {strides = array<i32>} : memref<1x2x128xi32, #tpu.memory_space<vmem>>, vector<16xi32>,
      %shift_right_arithmetic3A = arith.constant 7 : i32
      %shift_right_arithmetic3A_106 = vector.broadcast %shift_right_arithmetic3A : i32 to vector<16xi32>
      %shift_right_arithmetic3A_107 = arith.shrsi %get3A_99, %shift_right_arithmetic3A_106 : vector<16xi32>
      %and3A_108 = arith.constant 127 : i32
      %and3A_109 = vector.broadcast %and3A_108 : i32 to vector<16xi32>
      %and3A_110 = arith.andi %get3A_99, %and3A_109 : vector<16xi32>
      %gather3A = tpu.vector_load_idx %arg8[%shift_right_arithmetic3A_107, %and3A_110] : memref<80x128xf32, #tpu.memory_space<vmem>>[vector<16xi32>, vector<16xi32>], vector<16xf32>,
      %shift_right_arithmetic3A_111 = arith.constant 7 : i32
      %shift_right_arithmetic3A_112 = vector.broadcast %shift_right_arithmetic3A_111 : i32 to vector<16xi32>
      %shift_right_arithmetic3A_113 = arith.shrsi %get3A_105, %shift_right_arithmetic3A_112 : vector<16xi32>
      %and3A_114 = arith.constant 127 : i32
      %and3A_115 = vector.broadcast %and3A_114 : i32 to vector<16xi32>
      %and3A_116 = arith.andi %get3A_105, %and3A_115 : vector<16xi32>
      tpu.vector_store_idx %arg9[%shift_right_arithmetic3A_113, %and3A_116], %gather3A {add = true} : memref<80x128xf32, #tpu.memory_space<vmem>>[vector<16xi32>, vector<16xi32>], vector<16xf32>,
      %get3A_117 = arith.constant 0 : i32
      %get3A_118 = arith.constant 1 : i32
      %get3A_119 = arith.index_cast %get3A_117 : i32 to index
      %get3A_120 = arith.index_cast %get3A_118 : i32 to index
      %get3A_121 = arith.constant 16 : index
      %get3A_122 = tpu.vector_load %arg7[%get3A_119, %get3A_120, %get3A_121] {strides = array<i32>} : memref<1x2x128xi32, #tpu.memory_space<vmem>>, vector<16xi32>,
      %get3A_123 = arith.constant 0 : i32
      %get3A_124 = arith.constant 0 : i32
      %get3A_125 = arith.index_cast %get3A_123 : i32 to index
      %get3A_126 = arith.index_cast %get3A_124 : i32 to index
      %get3A_127 = arith.constant 16 : index
      %get3A_128 = tpu.vector_load %arg7[%get3A_125, %get3A_126, %get3A_127] {strides = array<i32>} : memref<1x2x128xi32, #tpu.memory_space<vmem>>, vector<16xi32>,
      %shift_right_arithmetic3A_129 = arith.constant 7 : i32
      %shift_right_arithmetic3A_130 = vector.broadcast %shift_right_arithmetic3A_129 : i32 to vector<16xi32>
      %shift_right_arithmetic3A_131 = arith.shrsi %get3A_122, %shift_right_arithmetic3A_130 : vector<16xi32>
      %and3A_132 = arith.constant 127 : i32
      %and3A_133 = vector.broadcast %and3A_132 : i32 to vector<16xi32>
      %and3A_134 = arith.andi %get3A_122, %and3A_133 : vector<16xi32>
      %gather3A_135 = tpu.vector_load_idx %arg8[%shift_right_arithmetic3A_131, %and3A_134] : memref<80x128xf32, #tpu.memory_space<vmem>>[vector<16xi32>, vector<16xi32>], vector<16xf32>,
      %shift_right_arithmetic3A_136 = arith.constant 7 : i32
      %shift_right_arithmetic3A_137 = vector.broadcast %shift_right_arithmetic3A_136 : i32 to vector<16xi32>
      %shift_right_arithmetic3A_138 = arith.shrsi %get3A_128, %shift_right_arithmetic3A_137 : vector<16xi32>
      %and3A_139 = arith.constant 127 : i32
      %and3A_140 = vector.broadcast %and3A_139 : i32 to vector<16xi32>
      %and3A_141 = arith.andi %get3A_128, %and3A_140 : vector<16xi32>
      tpu.vector_store_idx %arg9[%shift_right_arithmetic3A_138, %and3A_141], %gather3A_135 {add = true} : memref<80x128xf32, #tpu.memory_space<vmem>>[vector<16xi32>, vector<16xi32>], vector<16xf32>,
      %get3A_142 = arith.constant 0 : i32
      %get3A_143 = arith.constant 1 : i32
      %get3A_144 = arith.index_cast %get3A_142 : i32 to index
      %get3A_145 = arith.index_cast %get3A_143 : i32 to index
      %get3A_146 = arith.constant 32 : index
      %get3A_147 = tpu.vector_load %arg7[%get3A_144, %get3A_145, %get3A_146] {strides = array<i32>} : memref<1x2x128xi32, #tpu.memory_space<vmem>>, vector<16xi32>,
      %get3A_148 = arith.constant 0 : i32
      %get3A_149 = arith.constant 0 : i32
      %get3A_150 = arith.index_cast %get3A_148 : i32 to index
      %get3A_151 = arith.index_cast %get3A_149 : i32 to index
      %get3A_152 = arith.constant 32 : index
      %get3A_153 = tpu.vector_load %arg7[%get3A_150, %get3A_151, %get3A_152] {strides = array<i32>} : memref<1x2x128xi32, #tpu.memory_space<vmem>>, vector<16xi32>,
      %shift_right_arithmetic3A_154 = arith.constant 7 : i32
      %shift_right_arithmetic3A_155 = vector.broadcast %shift_right_arithmetic3A_154 : i32 to vector<16xi32>
      %shift_right_arithmetic3A_156 = arith.shrsi %get3A_147, %shift_right_arithmetic3A_155 : vector<16xi32>
      %and3A_157 = arith.constant 127 : i32
      %and3A_158 = vector.broadcast %and3A_157 : i32 to vector<16xi32>
      %and3A_159 = arith.andi %get3A_147, %and3A_158 : vector<16xi32>
      %gather3A_160 = tpu.vector_load_idx %arg8[%shift_right_arithmetic3A_156, %and3A_159] : memref<80x128xf32, #tpu.memory_space<vmem>>[vector<16xi32>, vector<16xi32>], vector<16xf32>,
      %shift_right_arithmetic3A_161 = arith.constant 7 : i32
      %shift_right_arithmetic3A_162 = vector.broadcast %shift_right_arithmetic3A_161 : i32 to vector<16xi32>
      %shift_right_arithmetic3A_163 = arith.shrsi %get3A_153, %shift_right_arithmetic3A_162 : vector<16xi32>
      %and3A_164 = arith.constant 127 : i32
      %and3A_165 = vector.broadcast %and3A_164 : i32 to vector<16xi32>
      %and3A_166 = arith.andi %get3A_153, %and3A_165 : vector<16xi32>
      tpu.vector_store_idx %arg9[%shift_right_arithmetic3A_163, %and3A_166], %gather3A_160 {add = true} : memref<80x128xf32, #tpu.memory_space<vmem>>[vector<16xi32>, vector<16xi32>], vector<16xf32>,
      %get3A_167 = arith.constant 0 : i32
      %get3A_168 = arith.constant 1 : i32
      %get3A_169 = arith.index_cast %get3A_167 : i32 to index
      %get3A_170 = arith.index_cast %get3A_168 : i32 to index
      %get3A_171 = arith.constant 48 : index
      %get3A_172 = tpu.vector_load %arg7[%get3A_169, %get3A_170, %get3A_171] {strides = array<i32>} : memref<1x2x128xi32, #tpu.memory_space<vmem>>, vector<16xi32>,
      %get3A_173 = arith.constant 0 : i32
      %get3A_174 = arith.constant 0 : i32
      %get3A_175 = arith.index_cast %get3A_173 : i32 to index
      %get3A_176 = arith.index_cast %get3A_174 : i32 to index
      %get3A_177 = arith.constant 48 : index
      %get3A_178 = tpu.vector_load %arg7[%get3A_175, %get3A_176, %get3A_177] {strides = array<i32>} : memref<1x2x128xi32, #tpu.memory_space<vmem>>, vector<16xi32>,
      %shift_right_arithmetic3A_179 = arith.constant 7 : i32
      %shift_right_arithmetic3A_180 = vector.broadcast %shift_right_arithmetic3A_179 : i32 to vector<16xi32>
      %shift_right_arithmetic3A_181 = arith.shrsi %get3A_172, %shift_right_arithmetic3A_180 : vector<16xi32>
      %and3A_182 = arith.constant 127 : i32
      %and3A_183 = vector.broadcast %and3A_182 : i32 to vector<16xi32>
      %and3A_184 = arith.andi %get3A_172, %and3A_183 : vector<16xi32>
      %gather3A_185 = tpu.vector_load_idx %arg8[%shift_right_arithmetic3A_181, %and3A_184] : memref<80x128xf32, #tpu.memory_space<vmem>>[vector<16xi32>, vector<16xi32>], vector<16xf32>,
      %shift_right_arithmetic3A_186 = arith.constant 7 : i32
      %shift_right_arithmetic3A_187 = vector.broadcast %shift_right_arithmetic3A_186 : i32 to vector<16xi32>
      %shift_right_arithmetic3A_188 = arith.shrsi %get3A_178, %shift_right_arithmetic3A_187 : vector<16xi32>
      %and3A_189 = arith.constant 127 : i32
      %and3A_190 = vector.broadcast %and3A_189 : i32 to vector<16xi32>
      %and3A_191 = arith.andi %get3A_178, %and3A_190 : vector<16xi32>
      tpu.vector_store_idx %arg9[%shift_right_arithmetic3A_188, %and3A_191], %gather3A_185 {add = true} : memref<80x128xf32, #tpu.memory_space<vmem>>[vector<16xi32>, vector<16xi32>], vector<16xf32>,
      %get3A_192 = arith.constant 0 : i32
      %get3A_193 = arith.constant 1 : i32
      %get3A_194 = arith.index_cast %get3A_192 : i32 to index
      %get3A_195 = arith.index_cast %get3A_193 : i32 to index
      %get3A_196 = arith.constant 64 : index
      %get3A_197 = tpu.vector_load %arg7[%get3A_194, %get3A_195, %get3A_196] {strides = array<i32>} : memref<1x2x128xi32, #tpu.memory_space<vmem>>, vector<16xi32>,
      %get3A_198 = arith.constant 0 : i32
      %get3A_199 = arith.constant 0 : i32
      %get3A_200 = arith.index_cast %get3A_198 : i32 to index
      %get3A_201 = arith.index_cast %get3A_199 : i32 to index
      %get3A_202 = arith.constant 64 : index
      %get3A_203 = tpu.vector_load %arg7[%get3A_200, %get3A_201, %get3A_202] {strides = array<i32>} : memref<1x2x128xi32, #tpu.memory_space<vmem>>, vector<16xi32>,
      %shift_right_arithmetic3A_204 = arith.constant 7 : i32
      %shift_right_arithmetic3A_205 = vector.broadcast %shift_right_arithmetic3A_204 : i32 to vector<16xi32>
      %shift_right_arithmetic3A_206 = arith.shrsi %get3A_197, %shift_right_arithmetic3A_205 : vector<16xi32>
      %and3A_207 = arith.constant 127 : i32
      %and3A_208 = vector.broadcast %and3A_207 : i32 to vector<16xi32>
      %and3A_209 = arith.andi %get3A_197, %and3A_208 : vector<16xi32>
      %gather3A_210 = tpu.vector_load_idx %arg8[%shift_right_arithmetic3A_206, %and3A_209] : memref<80x128xf32, #tpu.memory_space<vmem>>[vector<16xi32>, vector<16xi32>], vector<16xf32>,
      %shift_right_arithmetic3A_211 = arith.constant 7 : i32
      %shift_right_arithmetic3A_212 = vector.broadcast %shift_right_arithmetic3A_211 : i32 to vector<16xi32>
      %shift_right_arithmetic3A_213 = arith.shrsi %get3A_203, %shift_right_arithmetic3A_212 : vector<16xi32>
      %and3A_214 = arith.constant 127 : i32
      %and3A_215 = vector.broadcast %and3A_214 : i32 to vector<16xi32>
      %and3A_216 = arith.andi %get3A_203, %and3A_215 : vector<16xi32>
      tpu.vector_store_idx %arg9[%shift_right_arithmetic3A_213, %and3A_216], %gather3A_210 {add = true} : memref<80x128xf32, #tpu.memory_space<vmem>>[vector<16xi32>, vector<16xi32>], vector<16xf32>,
      %get3A_217 = arith.constant 0 : i32
      %get3A_218 = arith.constant 1 : i32
      %get3A_219 = arith.index_cast %get3A_217 : i32 to index
      %get3A_220 = arith.index_cast %get3A_218 : i32 to index
      %get3A_221 = arith.constant 80 : index
      %get3A_222 = tpu.vector_load %arg7[%get3A_219, %get3A_220, %get3A_221] {strides = array<i32>} : memref<1x2x128xi32, #tpu.memory_space<vmem>>, vector<16xi32>,
      %get3A_223 = arith.constant 0 : i32
      %get3A_224 = arith.constant 0 : i32
      %get3A_225 = arith.index_cast %get3A_223 : i32 to index
      %get3A_226 = arith.index_cast %get3A_224 : i32 to index
      %get3A_227 = arith.constant 80 : index
      %get3A_228 = tpu.vector_load %arg7[%get3A_225, %get3A_226, %get3A_227] {strides = array<i32>} : memref<1x2x128xi32, #tpu.memory_space<vmem>>, vector<16xi32>,
      %shift_right_arithmetic3A_229 = arith.constant 7 : i32
      %shift_right_arithmetic3A_230 = vector.broadcast %shift_right_arithmetic3A_229 : i32 to vector<16xi32>
      %shift_right_arithmetic3A_231 = arith.shrsi %get3A_222, %shift_right_arithmetic3A_230 : vector<16xi32>
      %and3A_232 = arith.constant 127 : i32
      %and3A_233 = vector.broadcast %and3A_232 : i32 to vector<16xi32>
      %and3A_234 = arith.andi %get3A_222, %and3A_233 : vector<16xi32>
      %gather3A_235 = tpu.vector_load_idx %arg8[%shift_right_arithmetic3A_231, %and3A_234] : memref<80x128xf32, #tpu.memory_space<vmem>>[vector<16xi32>, vector<16xi32>], vector<16xf32>,
      %shift_right_arithmetic3A_236 = arith.constant 7 : i32
      %shift_right_arithmetic3A_237 = vector.broadcast %shift_right_arithmetic3A_236 : i32 to vector<16xi32>
      %shift_right_arithmetic3A_238 = arith.shrsi %get3A_228, %shift_right_arithmetic3A_237 : vector<16xi32>
      %and3A_239 = arith.constant 127 : i32
      %and3A_240 = vector.broadcast %and3A_239 : i32 to vector<16xi32>
      %and3A_241 = arith.andi %get3A_228, %and3A_240 : vector<16xi32>
      tpu.vector_store_idx %arg9[%shift_right_arithmetic3A_238, %and3A_241], %gather3A_235 {add = true} : memref<80x128xf32, #tpu.memory_space<vmem>>[vector<16xi32>, vector<16xi32>], vector<16xf32>,
      %get3A_242 = arith.constant 0 : i32
      %get3A_243 = arith.constant 1 : i32
      %get3A_244 = arith.index_cast %get3A_242 : i32 to index
      %get3A_245 = arith.index_cast %get3A_243 : i32 to index
      %get3A_246 = arith.constant 96 : index
      %get3A_247 = tpu.vector_load %arg7[%get3A_244, %get3A_245, %get3A_246] {strides = array<i32>} : memref<1x2x128xi32, #tpu.memory_space<vmem>>, vector<16xi32>,
      %get3A_248 = arith.constant 0 : i32
      %get3A_249 = arith.constant 0 : i32
      %get3A_250 = arith.index_cast %get3A_248 : i32 to index
      %get3A_251 = arith.index_cast %get3A_249 : i32 to index
      %get3A_252 = arith.constant 96 : index
      %get3A_253 = tpu.vector_load %arg7[%get3A_250, %get3A_251, %get3A_252] {strides = array<i32>} : memref<1x2x128xi32, #tpu.memory_space<vmem>>, vector<16xi32>,
      %shift_right_arithmetic3A_254 = arith.constant 7 : i32
      %shift_right_arithmetic3A_255 = vector.broadcast %shift_right_arithmetic3A_254 : i32 to vector<16xi32>
      %shift_right_arithmetic3A_256 = arith.shrsi %get3A_247, %shift_right_arithmetic3A_255 : vector<16xi32>
      %and3A_257 = arith.constant 127 : i32
      %and3A_258 = vector.broadcast %and3A_257 : i32 to vector<16xi32>
      %and3A_259 = arith.andi %get3A_247, %and3A_258 : vector<16xi32>
      %gather3A_260 = tpu.vector_load_idx %arg8[%shift_right_arithmetic3A_256, %and3A_259] : memref<80x128xf32, #tpu.memory_space<vmem>>[vector<16xi32>, vector<16xi32>], vector<16xf32>,
      %shift_right_arithmetic3A_261 = arith.constant 7 : i32
      %shift_right_arithmetic3A_262 = vector.broadcast %shift_right_arithmetic3A_261 : i32 to vector<16xi32>
      %shift_right_arithmetic3A_263 = arith.shrsi %get3A_253, %shift_right_arithmetic3A_262 : vector<16xi32>
      %and3A_264 = arith.constant 127 : i32
      %and3A_265 = vector.broadcast %and3A_264 : i32 to vector<16xi32>
      %and3A_266 = arith.andi %get3A_253, %and3A_265 : vector<16xi32>
      tpu.vector_store_idx %arg9[%shift_right_arithmetic3A_263, %and3A_266], %gather3A_260 {add = true} : memref<80x128xf32, #tpu.memory_space<vmem>>[vector<16xi32>, vector<16xi32>], vector<16xf32>,
      %get3A_267 = arith.constant 0 : i32
      %get3A_268 = arith.constant 1 : i32
      %get3A_269 = arith.index_cast %get3A_267 : i32 to index
      %get3A_270 = arith.index_cast %get3A_268 : i32 to index
      %get3A_271 = arith.constant 112 : index
      %get3A_272 = tpu.vector_load %arg7[%get3A_269, %get3A_270, %get3A_271] {strides = array<i32>} : memref<1x2x128xi32, #tpu.memory_space<vmem>>, vector<16xi32>,
      %get3A_273 = arith.constant 0 : i32
      %get3A_274 = arith.constant 0 : i32
      %get3A_275 = arith.index_cast %get3A_273 : i32 to index
      %get3A_276 = arith.index_cast %get3A_274 : i32 to index
      %get3A_277 = arith.constant 112 : index
      %get3A_278 = tpu.vector_load %arg7[%get3A_275, %get3A_276, %get3A_277] {strides = array<i32>} : memref<1x2x128xi32, #tpu.memory_space<vmem>>, vector<16xi32>,
      %shift_right_arithmetic3A_279 = arith.constant 7 : i32
      %shift_right_arithmetic3A_280 = vector.broadcast %shift_right_arithmetic3A_279 : i32 to vector<16xi32>
      %shift_right_arithmetic3A_281 = arith.shrsi %get3A_272, %shift_right_arithmetic3A_280 : vector<16xi32>
      %and3A_282 = arith.constant 127 : i32
      %and3A_283 = vector.broadcast %and3A_282 : i32 to vector<16xi32>
      %and3A_284 = arith.andi %get3A_272, %and3A_283 : vector<16xi32>
      %gather3A_285 = tpu.vector_load_idx %arg8[%shift_right_arithmetic3A_281, %and3A_284] : memref<80x128xf32, #tpu.memory_space<vmem>>[vector<16xi32>, vector<16xi32>], vector<16xf32>,
      %shift_right_arithmetic3A_286 = arith.constant 7 : i32
      %shift_right_arithmetic3A_287 = vector.broadcast %shift_right_arithmetic3A_286 : i32 to vector<16xi32>
      %shift_right_arithmetic3A_288 = arith.shrsi %get3A_278, %shift_right_arithmetic3A_287 : vector<16xi32>
      %and3A_289 = arith.constant 127 : i32
      %and3A_290 = vector.broadcast %and3A_289 : i32 to vector<16xi32>
      %and3A_291 = arith.andi %get3A_278, %and3A_290 : vector<16xi32>
      tpu.vector_store_idx %arg9[%shift_right_arithmetic3A_288, %and3A_291], %gather3A_285 {add = true} : memref<80x128xf32, #tpu.memory_space<vmem>>[vector<16xi32>, vector<16xi32>], vector<16xf32>,
    } else {
    }
    "tpu.region"() ({
      %run_scoped3A = tpu.sem_alloc : memref<!tpu.dma_semaphore, #tpu.memory_space<semaphore_mem>>
      %dma_start3A = arith.constant 0 : i32
      %dma_start3A_95 = arith.constant 0 : i32
      %dma_start3A_96 = tpu.memref_slice %arg13[%dma_start3A, %dma_start3A_95] : memref<80x128xf32, #tpu.memory_space<vmem_shared>> -> memref<80x128xf32, #tpu.memory_space<vmem_shared>>
      tpu.enqueue_indirect_dma source(%arg9 : memref<80x128xf32, #tpu.memory_space<vmem>>) target(%dma_start3A_96 : memref<80x128xf32, #tpu.memory_space<vmem_shared>>) offsets(%arg12 : memref<80xi32, #tpu.memory_space<vmem>>) semaphore(%run_scoped3A : memref<!tpu.dma_semaphore, #tpu.memory_space<semaphore_mem>>) {add = true}
      %dma_wait3A = arith.constant 0 : i32
      %dma_wait3A_97 = arith.constant 0 : i32
      %dma_wait3A_98 = tpu.memref_slice %arg13[%dma_wait3A, %dma_wait3A_97] : memref<80x128xf32, #tpu.memory_space<vmem_shared>> -> memref<80x128xf32, #tpu.memory_space<vmem_shared>>
      tpu.wait_indirect_dma semaphore(%run_scoped3A : memref<!tpu.dma_semaphore, #tpu.memory_space<semaphore_mem>>) src(%arg9 : memref<80x128xf32, #tpu.memory_space<vmem>>) dst(%dma_wait3A_98 : memref<80x128xf32, #tpu.memory_space<vmem_shared>>)
      tpu.yield
    }) : () -> ()
    %barrier3A_66 = arith.constant 0 : index
    tpu.barrier barrier_id(%barrier3A_66)
    %convert_element_type3A_67 = arith.extui %and3A : i1 to i32
    %cond3A_68 = arith.constant 0 : i32
    %cond3A_69 = arith.cmpi ne, %convert_element_type3A_67, %cond3A_68 : i32
    scf.if %cond3A_69 {
      "tpu.region"() ({
        %run_scoped3A = tpu.sem_alloc : memref<!tpu.dma_semaphore, #tpu.memory_space<semaphore_mem>>
        tpu.enqueue_dma source(%arg13 : memref<80x128xf32, #tpu.memory_space<vmem_shared>>) target(%arg4 : memref<80x128xf32, #tpu.memory_space<hbm>>) target_semaphore(%run_scoped3A : memref<!tpu.dma_semaphore, #tpu.memory_space<semaphore_mem>>)
        tpu.wait_dma2 semaphore(%run_scoped3A : memref<!tpu.dma_semaphore, #tpu.memory_space<semaphore_mem>>) src(%arg13 : memref<80x128xf32, #tpu.memory_space<vmem_shared>>) dst(%arg4 : memref<80x128xf32, #tpu.memory_space<hbm>>)
        tpu.yield
      }) : () -> ()
    } else {
    }
    "tpu.region"() ({
      %run_scoped3A = tpu.sem_alloc : memref<!tpu.dma_semaphore, #tpu.memory_space<semaphore_mem>>
      %dma_start3A = arith.constant 0 : i32
      %dma_start3A_95 = tpu.memref_slice %arg13[%mul3A_0, %dma_start3A] : memref<80x128xf32, #tpu.memory_space<vmem_shared>> -> memref<5x128xf32, #tpu.memory_space<vmem_shared>>
      %dma_start3A_96 = arith.constant 0 : i32
      %dma_start3A_97 = tpu.memref_slice %arg13[%mul3A_0, %dma_start3A_96] : memref<80x128xf32, #tpu.memory_space<vmem_shared>> -> memref<5x128xf32, #tpu.memory_space<vmem_shared>>
      tpu.enqueue_dma source(%dma_start3A_97 : memref<5x128xf32, #tpu.memory_space<vmem_shared>>) target(%arg10 : memref<5x128xf32, #tpu.memory_space<vmem>>) target_semaphore(%run_scoped3A : memref<!tpu.dma_semaphore, #tpu.memory_space<semaphore_mem>>)
      %dma_wait3A = arith.constant 0 : i32
      %dma_wait3A_98 = tpu.memref_slice %arg13[%mul3A_0, %dma_wait3A] : memref<80x128xf32, #tpu.memory_space<vmem_shared>> -> memref<5x128xf32, #tpu.memory_space<vmem_shared>>
      %dma_wait3A_99 = arith.constant 0 : i32
      %dma_wait3A_100 = tpu.memref_slice %arg13[%mul3A_0, %dma_wait3A_99] : memref<80x128xf32, #tpu.memory_space<vmem_shared>> -> memref<5x128xf32, #tpu.memory_space<vmem_shared>>
      tpu.wait_dma2 semaphore(%run_scoped3A : memref<!tpu.dma_semaphore, #tpu.memory_space<semaphore_mem>>) src(%dma_wait3A_100 : memref<5x128xf32, #tpu.memory_space<vmem_shared>>) dst(%arg10 : memref<5x128xf32, #tpu.memory_space<vmem>>)
      tpu.yield
    }) : () -> ()
    %scan3A_70 = arith.constant 0 : i32
    %scan3A_71 = arith.constant 0 : i32
    %scan3A_72 = arith.constant 40 : i32
    %scan3A_73 = arith.addi %scan3A_71, %scan3A_72 : i32
    %scan3A_74 = arith.constant 1 : i32
    scf.for %scan3A_95 = %scan3A_71 to %scan3A_73 step %scan3A_74  : i32 {
      %shift_right_arithmetic3A = arith.constant 3 : i32
      %shift_right_arithmetic3A_96 = arith.shrsi %scan3A_95, %shift_right_arithmetic3A : i32
      %and3A_97 = arith.constant 7 : i32
      %and3A_98 = arith.andi %scan3A_95, %and3A_97 : i32
      %mul3A_99 = arith.constant 16 : i32
      %mul3A_100 = arith.muli %and3A_98, %mul3A_99 : i32
      %get3A = arith.index_cast %shift_right_arithmetic3A_96 : i32 to index
      %get3A_101 = arith.index_cast %mul3A_100 : i32 to index
      %get3A_102 = tpu.vector_load %arg10[%get3A, %get3A_101] {strides = array<i32>} : memref<5x128xf32, #tpu.memory_space<vmem>>, vector<16xf32>,
      %get3A_103 = arith.index_cast %shift_right_arithmetic3A_96 : i32 to index
      %get3A_104 = arith.index_cast %mul3A_100 : i32 to index
      %get3A_105 = tpu.vector_load %arg11[%get3A_103, %get3A_104] {strides = array<i32>} : memref<5x128xf32, #tpu.memory_space<vmem>>, vector<16xf32>,
      %mul3A_106 = arith.mulf %get3A_102, %get3A_105 : vector<16xf32>
      %swap3A_107 = arith.index_cast %shift_right_arithmetic3A_96 : i32 to index
      %swap3A_108 = arith.index_cast %mul3A_100 : i32 to index
      %swap3A_109 = tpu.vector_load %arg10[%swap3A_107, %swap3A_108] {strides = array<i32>} : memref<5x128xf32, #tpu.memory_space<vmem>>, vector<16xf32>,
      tpu.vector_store %arg10[%swap3A_107, %swap3A_108], %mul3A_106 {strides = array<i32>} : memref<5x128xf32, #tpu.memory_space<vmem>>, vector<16xf32>,
    }
    %scan3A_75 = arith.constant 40 : i32
    %barrier3A_76 = arith.constant 0 : index
    tpu.barrier barrier_id(%barrier3A_76)
    "tpu.region"() ({
      %run_scoped3A = tpu.sem_alloc : memref<!tpu.dma_semaphore, #tpu.memory_space<semaphore_mem>>
      %dma_start3A = arith.constant 0 : i32
      %dma_start3A_95 = tpu.memref_slice %arg13[%mul3A_0, %dma_start3A] : memref<80x128xf32, #tpu.memory_space<vmem_shared>> -> memref<5x128xf32, #tpu.memory_space<vmem_shared>>
      %dma_start3A_96 = arith.constant 0 : i32
      %dma_start3A_97 = tpu.memref_slice %arg13[%mul3A_0, %dma_start3A_96] : memref<80x128xf32, #tpu.memory_space<vmem_shared>> -> memref<5x128xf32, #tpu.memory_space<vmem_shared>>
      tpu.enqueue_dma source(%arg10 : memref<5x128xf32, #tpu.memory_space<vmem>>) target(%dma_start3A_97 : memref<5x128xf32, #tpu.memory_space<vmem_shared>>) target_semaphore(%run_scoped3A : memref<!tpu.dma_semaphore, #tpu.memory_space<semaphore_mem>>)
      %dma_wait3A = arith.constant 0 : i32
      %dma_wait3A_98 = tpu.memref_slice %arg13[%mul3A_0, %dma_wait3A] : memref<80x128xf32, #tpu.memory_space<vmem_shared>> -> memref<5x128xf32, #tpu.memory_space<vmem_shared>>
      %dma_wait3A_99 = arith.constant 0 : i32
      %dma_wait3A_100 = tpu.memref_slice %arg13[%mul3A_0, %dma_wait3A_99] : memref<80x128xf32, #tpu.memory_space<vmem_shared>> -> memref<5x128xf32, #tpu.memory_space<vmem_shared>>
      tpu.wait_dma2 semaphore(%run_scoped3A : memref<!tpu.dma_semaphore, #tpu.memory_space<semaphore_mem>>) src(%arg10 : memref<5x128xf32, #tpu.memory_space<vmem>>) dst(%dma_wait3A_100 : memref<5x128xf32, #tpu.memory_space<vmem_shared>>)
      tpu.yield
    }) : () -> ()
    %barrier3A_77 = arith.constant 0 : index
    tpu.barrier barrier_id(%barrier3A_77)
    "tpu.region"() ({
      %run_scoped3A = tpu.sem_alloc : memref<!tpu.dma_semaphore, #tpu.memory_space<semaphore_mem>>
      tpu.enqueue_dma source(%arg13 : memref<80x128xf32, #tpu.memory_space<vmem_shared>>) target(%arg8 : memref<80x128xf32, #tpu.memory_space<vmem>>) target_semaphore(%run_scoped3A : memref<!tpu.dma_semaphore, #tpu.memory_space<semaphore_mem>>)
      tpu.wait_dma2 semaphore(%run_scoped3A : memref<!tpu.dma_semaphore, #tpu.memory_space<semaphore_mem>>) src(%arg13 : memref<80x128xf32, #tpu.memory_space<vmem_shared>>) dst(%arg8 : memref<80x128xf32, #tpu.memory_space<vmem>>)
      tpu.yield
    }) : () -> ()
    "tpu.region"() ({
      %run_scoped3A = tpu.sem_alloc : memref<!tpu.dma_semaphore, #tpu.memory_space<semaphore_mem>>
      tpu.enqueue_dma source(%arg3 : memref<80x128xf32, #tpu.memory_space<hbm>>) target(%arg9 : memref<80x128xf32, #tpu.memory_space<vmem>>) target_semaphore(%run_scoped3A : memref<!tpu.dma_semaphore, #tpu.memory_space<semaphore_mem>>)
      tpu.wait_dma2 semaphore(%run_scoped3A : memref<!tpu.dma_semaphore, #tpu.memory_space<semaphore_mem>>) src(%arg3 : memref<80x128xf32, #tpu.memory_space<hbm>>) dst(%arg9 : memref<80x128xf32, #tpu.memory_space<vmem>>)
      tpu.yield
    }) : () -> ()
    %barrier3A_78 = arith.constant 0 : index
    tpu.barrier barrier_id(%barrier3A_78)
    %eq3A_79 = arith.constant 0 : i32
    %eq3A_80 = arith.cmpi eq, %arg1, %eq3A_79 : i32
    %convert_element_type3A_81 = arith.extui %eq3A_80 : i1 to i32
    %cond3A_82 = arith.constant 0 : i32
    %cond3A_83 = arith.cmpi ne, %convert_element_type3A_81, %cond3A_82 : i32
    scf.if %cond3A_83 {
      "tpu.region"() ({
        %run_scoped3A = tpu.sem_alloc : memref<!tpu.dma_semaphore, #tpu.memory_space<semaphore_mem>>
        tpu.enqueue_dma source(%arg3 : memref<80x128xf32, #tpu.memory_space<hbm>>) target(%arg13 : memref<80x128xf32, #tpu.memory_space<vmem_shared>>) target_semaphore(%run_scoped3A : memref<!tpu.dma_semaphore, #tpu.memory_space<semaphore_mem>>)
        tpu.wait_dma2 semaphore(%run_scoped3A : memref<!tpu.dma_semaphore, #tpu.memory_space<semaphore_mem>>) src(%arg3 : memref<80x128xf32, #tpu.memory_space<hbm>>) dst(%arg13 : memref<80x128xf32, #tpu.memory_space<vmem_shared>>)
        tpu.yield
      }) : () -> ()
    } else {
    }
    %barrier3A_84 = arith.constant 0 : index
    tpu.barrier barrier_id(%barrier3A_84)
    %parallel_loop3A_85 = arith.constant 0 : i32
    %parallel_loop3A_86 = arith.constant 156 : i32
    %parallel_loop3A_87 = arith.constant 1 : i32
    scf.for %parallel_loop3A_95 = %parallel_loop3A_85 to %parallel_loop3A_86 step %parallel_loop3A_87  : i32 {
      %parallel_loop3A_96 = arith.constant 1 : i32
      %parallel_loop3A_97 = arith.index_cast %parallel_loop3A_95 : i32 to index
      %parallel_loop3A_98 = arith.index_cast %parallel_loop3A_96 : i32 to index
      %parallel_loop3A_99 = arith.constant 0 : index
      %parallel_loop3A_100 = tpu.vector_load %arg6[%parallel_loop3A_97, %parallel_loop3A_98, %parallel_loop3A_99] {strides = array<i32>} : memref<156x2x128xi32, #tpu.memory_space<vmem>>, vector<16xi32>,
      %parallel_loop3A_101 = arith.constant 1 : i32
      %parallel_loop3A_102 = arith.index_cast %parallel_loop3A_95 : i32 to index
      %parallel_loop3A_103 = arith.index_cast %parallel_loop3A_101 : i32 to index
      %parallel_loop3A_104 = arith.constant 16 : index
      %parallel_loop3A_105 = tpu.vector_load %arg6[%parallel_loop3A_102, %parallel_loop3A_103, %parallel_loop3A_104] {strides = array<i32>} : memref<156x2x128xi32, #tpu.memory_space<vmem>>, vector<16xi32>,
      %parallel_loop3A_106 = arith.constant 1 : i32
      %parallel_loop3A_107 = arith.index_cast %parallel_loop3A_95 : i32 to index
      %parallel_loop3A_108 = arith.index_cast %parallel_loop3A_106 : i32 to index
      %parallel_loop3A_109 = arith.constant 32 : index
      %parallel_loop3A_110 = tpu.vector_load %arg6[%parallel_loop3A_107, %parallel_loop3A_108, %parallel_loop3A_109] {strides = array<i32>} : memref<156x2x128xi32, #tpu.memory_space<vmem>>, vector<16xi32>,
      %parallel_loop3A_111 = arith.constant 1 : i32
      %parallel_loop3A_112 = arith.index_cast %parallel_loop3A_95 : i32 to index
      %parallel_loop3A_113 = arith.index_cast %parallel_loop3A_111 : i32 to index
      %parallel_loop3A_114 = arith.constant 48 : index
      %parallel_loop3A_115 = tpu.vector_load %arg6[%parallel_loop3A_112, %parallel_loop3A_113, %parallel_loop3A_114] {strides = array<i32>} : memref<156x2x128xi32, #tpu.memory_space<vmem>>, vector<16xi32>,
      %parallel_loop3A_116 = arith.constant 1 : i32
      %parallel_loop3A_117 = arith.index_cast %parallel_loop3A_95 : i32 to index
      %parallel_loop3A_118 = arith.index_cast %parallel_loop3A_116 : i32 to index
      %parallel_loop3A_119 = arith.constant 64 : index
      %parallel_loop3A_120 = tpu.vector_load %arg6[%parallel_loop3A_117, %parallel_loop3A_118, %parallel_loop3A_119] {strides = array<i32>} : memref<156x2x128xi32, #tpu.memory_space<vmem>>, vector<16xi32>,
      %parallel_loop3A_121 = arith.constant 1 : i32
      %parallel_loop3A_122 = arith.index_cast %parallel_loop3A_95 : i32 to index
      %parallel_loop3A_123 = arith.index_cast %parallel_loop3A_121 : i32 to index
      %parallel_loop3A_124 = arith.constant 80 : index
      %parallel_loop3A_125 = tpu.vector_load %arg6[%parallel_loop3A_122, %parallel_loop3A_123, %parallel_loop3A_124] {strides = array<i32>} : memref<156x2x128xi32, #tpu.memory_space<vmem>>, vector<16xi32>,
      %parallel_loop3A_126 = arith.constant 1 : i32
      %parallel_loop3A_127 = arith.index_cast %parallel_loop3A_95 : i32 to index
      %parallel_loop3A_128 = arith.index_cast %parallel_loop3A_126 : i32 to index
      %parallel_loop3A_129 = arith.constant 96 : index
      %parallel_loop3A_130 = tpu.vector_load %arg6[%parallel_loop3A_127, %parallel_loop3A_128, %parallel_loop3A_129] {strides = array<i32>} : memref<156x2x128xi32, #tpu.memory_space<vmem>>, vector<16xi32>,
      %parallel_loop3A_131 = arith.constant 1 : i32
      %parallel_loop3A_132 = arith.index_cast %parallel_loop3A_95 : i32 to index
      %parallel_loop3A_133 = arith.index_cast %parallel_loop3A_131 : i32 to index
      %parallel_loop3A_134 = arith.constant 112 : index
      %parallel_loop3A_135 = tpu.vector_load %arg6[%parallel_loop3A_132, %parallel_loop3A_133, %parallel_loop3A_134] {strides = array<i32>} : memref<156x2x128xi32, #tpu.memory_space<vmem>>, vector<16xi32>,
      %parallel_loop3A_136 = arith.constant 0 : i32
      %parallel_loop3A_137 = arith.index_cast %parallel_loop3A_95 : i32 to index
      %parallel_loop3A_138 = arith.index_cast %parallel_loop3A_136 : i32 to index
      %parallel_loop3A_139 = arith.constant 0 : index
      %parallel_loop3A_140 = tpu.vector_load %arg6[%parallel_loop3A_137, %parallel_loop3A_138, %parallel_loop3A_139] {strides = array<i32>} : memref<156x2x128xi32, #tpu.memory_space<vmem>>, vector<16xi32>,
      %parallel_loop3A_141 = arith.constant 0 : i32
      %parallel_loop3A_142 = arith.index_cast %parallel_loop3A_95 : i32 to index
      %parallel_loop3A_143 = arith.index_cast %parallel_loop3A_141 : i32 to index
      %parallel_loop3A_144 = arith.constant 16 : index
      %parallel_loop3A_145 = tpu.vector_load %arg6[%parallel_loop3A_142, %parallel_loop3A_143, %parallel_loop3A_144] {strides = array<i32>} : memref<156x2x128xi32, #tpu.memory_space<vmem>>, vector<16xi32>,
      %parallel_loop3A_146 = arith.constant 0 : i32
      %parallel_loop3A_147 = arith.index_cast %parallel_loop3A_95 : i32 to index
      %parallel_loop3A_148 = arith.index_cast %parallel_loop3A_146 : i32 to index
      %parallel_loop3A_149 = arith.constant 32 : index
      %parallel_loop3A_150 = tpu.vector_load %arg6[%parallel_loop3A_147, %parallel_loop3A_148, %parallel_loop3A_149] {strides = array<i32>} : memref<156x2x128xi32, #tpu.memory_space<vmem>>, vector<16xi32>,
      %parallel_loop3A_151 = arith.constant 0 : i32
      %parallel_loop3A_152 = arith.index_cast %parallel_loop3A_95 : i32 to index
      %parallel_loop3A_153 = arith.index_cast %parallel_loop3A_151 : i32 to index
      %parallel_loop3A_154 = arith.constant 48 : index
      %parallel_loop3A_155 = tpu.vector_load %arg6[%parallel_loop3A_152, %parallel_loop3A_153, %parallel_loop3A_154] {strides = array<i32>} : memref<156x2x128xi32, #tpu.memory_space<vmem>>, vector<16xi32>,
      %parallel_loop3A_156 = arith.constant 0 : i32
      %parallel_loop3A_157 = arith.index_cast %parallel_loop3A_95 : i32 to index
      %parallel_loop3A_158 = arith.index_cast %parallel_loop3A_156 : i32 to index
      %parallel_loop3A_159 = arith.constant 64 : index
      %parallel_loop3A_160 = tpu.vector_load %arg6[%parallel_loop3A_157, %parallel_loop3A_158, %parallel_loop3A_159] {strides = array<i32>} : memref<156x2x128xi32, #tpu.memory_space<vmem>>, vector<16xi32>,
      %parallel_loop3A_161 = arith.constant 0 : i32
      %parallel_loop3A_162 = arith.index_cast %parallel_loop3A_95 : i32 to index
      %parallel_loop3A_163 = arith.index_cast %parallel_loop3A_161 : i32 to index
      %parallel_loop3A_164 = arith.constant 80 : index
      %parallel_loop3A_165 = tpu.vector_load %arg6[%parallel_loop3A_162, %parallel_loop3A_163, %parallel_loop3A_164] {strides = array<i32>} : memref<156x2x128xi32, #tpu.memory_space<vmem>>, vector<16xi32>,
      %parallel_loop3A_166 = arith.constant 0 : i32
      %parallel_loop3A_167 = arith.index_cast %parallel_loop3A_95 : i32 to index
      %parallel_loop3A_168 = arith.index_cast %parallel_loop3A_166 : i32 to index
      %parallel_loop3A_169 = arith.constant 96 : index
      %parallel_loop3A_170 = tpu.vector_load %arg6[%parallel_loop3A_167, %parallel_loop3A_168, %parallel_loop3A_169] {strides = array<i32>} : memref<156x2x128xi32, #tpu.memory_space<vmem>>, vector<16xi32>,
      %parallel_loop3A_171 = arith.constant 0 : i32
      %parallel_loop3A_172 = arith.index_cast %parallel_loop3A_95 : i32 to index
      %parallel_loop3A_173 = arith.index_cast %parallel_loop3A_171 : i32 to index
      %parallel_loop3A_174 = arith.constant 112 : index
      %parallel_loop3A_175 = tpu.vector_load %arg6[%parallel_loop3A_172, %parallel_loop3A_173, %parallel_loop3A_174] {strides = array<i32>} : memref<156x2x128xi32, #tpu.memory_space<vmem>>, vector<16xi32>,
      %parallel_loop3A_176 = arith.constant 7 : i32
      %parallel_loop3A_177 = vector.broadcast %parallel_loop3A_176 : i32 to vector<16xi32>
      %parallel_loop3A_178 = arith.shrsi %parallel_loop3A_100, %parallel_loop3A_177 : vector<16xi32>
      %parallel_loop3A_179 = arith.constant 127 : i32
      %parallel_loop3A_180 = vector.broadcast %parallel_loop3A_179 : i32 to vector<16xi32>
      %parallel_loop3A_181 = arith.andi %parallel_loop3A_100, %parallel_loop3A_180 : vector<16xi32>
      %parallel_loop3A_182 = tpu.vector_load_idx %arg8[%parallel_loop3A_178, %parallel_loop3A_181] : memref<80x128xf32, #tpu.memory_space<vmem>>[vector<16xi32>, vector<16xi32>], vector<16xf32>,
      %parallel_loop3A_183 = arith.constant 7 : i32
      %parallel_loop3A_184 = vector.broadcast %parallel_loop3A_183 : i32 to vector<16xi32>
      %parallel_loop3A_185 = arith.shrsi %parallel_loop3A_105, %parallel_loop3A_184 : vector<16xi32>
      %parallel_loop3A_186 = arith.constant 127 : i32
      %parallel_loop3A_187 = vector.broadcast %parallel_loop3A_186 : i32 to vector<16xi32>
      %parallel_loop3A_188 = arith.andi %parallel_loop3A_105, %parallel_loop3A_187 : vector<16xi32>
      %parallel_loop3A_189 = tpu.vector_load_idx %arg8[%parallel_loop3A_185, %parallel_loop3A_188] : memref<80x128xf32, #tpu.memory_space<vmem>>[vector<16xi32>, vector<16xi32>], vector<16xf32>,
      %parallel_loop3A_190 = arith.constant 7 : i32
      %parallel_loop3A_191 = vector.broadcast %parallel_loop3A_190 : i32 to vector<16xi32>
      %parallel_loop3A_192 = arith.shrsi %parallel_loop3A_110, %parallel_loop3A_191 : vector<16xi32>
      %parallel_loop3A_193 = arith.constant 127 : i32
      %parallel_loop3A_194 = vector.broadcast %parallel_loop3A_193 : i32 to vector<16xi32>
      %parallel_loop3A_195 = arith.andi %parallel_loop3A_110, %parallel_loop3A_194 : vector<16xi32>
      %parallel_loop3A_196 = tpu.vector_load_idx %arg8[%parallel_loop3A_192, %parallel_loop3A_195] : memref<80x128xf32, #tpu.memory_space<vmem>>[vector<16xi32>, vector<16xi32>], vector<16xf32>,
      %parallel_loop3A_197 = arith.constant 7 : i32
      %parallel_loop3A_198 = vector.broadcast %parallel_loop3A_197 : i32 to vector<16xi32>
      %parallel_loop3A_199 = arith.shrsi %parallel_loop3A_115, %parallel_loop3A_198 : vector<16xi32>
      %parallel_loop3A_200 = arith.constant 127 : i32
      %parallel_loop3A_201 = vector.broadcast %parallel_loop3A_200 : i32 to vector<16xi32>
      %parallel_loop3A_202 = arith.andi %parallel_loop3A_115, %parallel_loop3A_201 : vector<16xi32>
      %parallel_loop3A_203 = tpu.vector_load_idx %arg8[%parallel_loop3A_199, %parallel_loop3A_202] : memref<80x128xf32, #tpu.memory_space<vmem>>[vector<16xi32>, vector<16xi32>], vector<16xf32>,
      %parallel_loop3A_204 = arith.constant 7 : i32
      %parallel_loop3A_205 = vector.broadcast %parallel_loop3A_204 : i32 to vector<16xi32>
      %parallel_loop3A_206 = arith.shrsi %parallel_loop3A_120, %parallel_loop3A_205 : vector<16xi32>
      %parallel_loop3A_207 = arith.constant 127 : i32
      %parallel_loop3A_208 = vector.broadcast %parallel_loop3A_207 : i32 to vector<16xi32>
      %parallel_loop3A_209 = arith.andi %parallel_loop3A_120, %parallel_loop3A_208 : vector<16xi32>
      %parallel_loop3A_210 = tpu.vector_load_idx %arg8[%parallel_loop3A_206, %parallel_loop3A_209] : memref<80x128xf32, #tpu.memory_space<vmem>>[vector<16xi32>, vector<16xi32>], vector<16xf32>,
      %parallel_loop3A_211 = arith.constant 7 : i32
      %parallel_loop3A_212 = vector.broadcast %parallel_loop3A_211 : i32 to vector<16xi32>
      %parallel_loop3A_213 = arith.shrsi %parallel_loop3A_125, %parallel_loop3A_212 : vector<16xi32>
      %parallel_loop3A_214 = arith.constant 127 : i32
      %parallel_loop3A_215 = vector.broadcast %parallel_loop3A_214 : i32 to vector<16xi32>
      %parallel_loop3A_216 = arith.andi %parallel_loop3A_125, %parallel_loop3A_215 : vector<16xi32>
      %parallel_loop3A_217 = tpu.vector_load_idx %arg8[%parallel_loop3A_213, %parallel_loop3A_216] : memref<80x128xf32, #tpu.memory_space<vmem>>[vector<16xi32>, vector<16xi32>], vector<16xf32>,
      %parallel_loop3A_218 = arith.constant 7 : i32
      %parallel_loop3A_219 = vector.broadcast %parallel_loop3A_218 : i32 to vector<16xi32>
      %parallel_loop3A_220 = arith.shrsi %parallel_loop3A_130, %parallel_loop3A_219 : vector<16xi32>
      %parallel_loop3A_221 = arith.constant 127 : i32
      %parallel_loop3A_222 = vector.broadcast %parallel_loop3A_221 : i32 to vector<16xi32>
      %parallel_loop3A_223 = arith.andi %parallel_loop3A_130, %parallel_loop3A_222 : vector<16xi32>
      %parallel_loop3A_224 = tpu.vector_load_idx %arg8[%parallel_loop3A_220, %parallel_loop3A_223] : memref<80x128xf32, #tpu.memory_space<vmem>>[vector<16xi32>, vector<16xi32>], vector<16xf32>,
      %parallel_loop3A_225 = arith.constant 7 : i32
      %parallel_loop3A_226 = vector.broadcast %parallel_loop3A_225 : i32 to vector<16xi32>
      %parallel_loop3A_227 = arith.shrsi %parallel_loop3A_135, %parallel_loop3A_226 : vector<16xi32>
      %parallel_loop3A_228 = arith.constant 127 : i32
      %parallel_loop3A_229 = vector.broadcast %parallel_loop3A_228 : i32 to vector<16xi32>
      %parallel_loop3A_230 = arith.andi %parallel_loop3A_135, %parallel_loop3A_229 : vector<16xi32>
      %parallel_loop3A_231 = tpu.vector_load_idx %arg8[%parallel_loop3A_227, %parallel_loop3A_230] : memref<80x128xf32, #tpu.memory_space<vmem>>[vector<16xi32>, vector<16xi32>], vector<16xf32>,
      %parallel_loop3A_232 = arith.constant 7 : i32
      %parallel_loop3A_233 = vector.broadcast %parallel_loop3A_232 : i32 to vector<16xi32>
      %parallel_loop3A_234 = arith.shrsi %parallel_loop3A_140, %parallel_loop3A_233 : vector<16xi32>
      %parallel_loop3A_235 = arith.constant 127 : i32
      %parallel_loop3A_236 = vector.broadcast %parallel_loop3A_235 : i32 to vector<16xi32>
      %parallel_loop3A_237 = arith.andi %parallel_loop3A_140, %parallel_loop3A_236 : vector<16xi32>
      tpu.vector_store_idx %arg9[%parallel_loop3A_234, %parallel_loop3A_237], %parallel_loop3A_182 {add = true} : memref<80x128xf32, #tpu.memory_space<vmem>>[vector<16xi32>, vector<16xi32>], vector<16xf32>,
      %parallel_loop3A_238 = arith.constant 7 : i32
      %parallel_loop3A_239 = vector.broadcast %parallel_loop3A_238 : i32 to vector<16xi32>
      %parallel_loop3A_240 = arith.shrsi %parallel_loop3A_145, %parallel_loop3A_239 : vector<16xi32>
      %parallel_loop3A_241 = arith.constant 127 : i32
      %parallel_loop3A_242 = vector.broadcast %parallel_loop3A_241 : i32 to vector<16xi32>
      %parallel_loop3A_243 = arith.andi %parallel_loop3A_145, %parallel_loop3A_242 : vector<16xi32>
      tpu.vector_store_idx %arg9[%parallel_loop3A_240, %parallel_loop3A_243], %parallel_loop3A_189 {add = true} : memref<80x128xf32, #tpu.memory_space<vmem>>[vector<16xi32>, vector<16xi32>], vector<16xf32>,
      %parallel_loop3A_244 = arith.constant 7 : i32
      %parallel_loop3A_245 = vector.broadcast %parallel_loop3A_244 : i32 to vector<16xi32>
      %parallel_loop3A_246 = arith.shrsi %parallel_loop3A_150, %parallel_loop3A_245 : vector<16xi32>
      %parallel_loop3A_247 = arith.constant 127 : i32
      %parallel_loop3A_248 = vector.broadcast %parallel_loop3A_247 : i32 to vector<16xi32>
      %parallel_loop3A_249 = arith.andi %parallel_loop3A_150, %parallel_loop3A_248 : vector<16xi32>
      tpu.vector_store_idx %arg9[%parallel_loop3A_246, %parallel_loop3A_249], %parallel_loop3A_196 {add = true} : memref<80x128xf32, #tpu.memory_space<vmem>>[vector<16xi32>, vector<16xi32>], vector<16xf32>,
      %parallel_loop3A_250 = arith.constant 7 : i32
      %parallel_loop3A_251 = vector.broadcast %parallel_loop3A_250 : i32 to vector<16xi32>
      %parallel_loop3A_252 = arith.shrsi %parallel_loop3A_155, %parallel_loop3A_251 : vector<16xi32>
      %parallel_loop3A_253 = arith.constant 127 : i32
      %parallel_loop3A_254 = vector.broadcast %parallel_loop3A_253 : i32 to vector<16xi32>
      %parallel_loop3A_255 = arith.andi %parallel_loop3A_155, %parallel_loop3A_254 : vector<16xi32>
      tpu.vector_store_idx %arg9[%parallel_loop3A_252, %parallel_loop3A_255], %parallel_loop3A_203 {add = true} : memref<80x128xf32, #tpu.memory_space<vmem>>[vector<16xi32>, vector<16xi32>], vector<16xf32>,
      %parallel_loop3A_256 = arith.constant 7 : i32
      %parallel_loop3A_257 = vector.broadcast %parallel_loop3A_256 : i32 to vector<16xi32>
      %parallel_loop3A_258 = arith.shrsi %parallel_loop3A_160, %parallel_loop3A_257 : vector<16xi32>
      %parallel_loop3A_259 = arith.constant 127 : i32
      %parallel_loop3A_260 = vector.broadcast %parallel_loop3A_259 : i32 to vector<16xi32>
      %parallel_loop3A_261 = arith.andi %parallel_loop3A_160, %parallel_loop3A_260 : vector<16xi32>
      tpu.vector_store_idx %arg9[%parallel_loop3A_258, %parallel_loop3A_261], %parallel_loop3A_210 {add = true} : memref<80x128xf32, #tpu.memory_space<vmem>>[vector<16xi32>, vector<16xi32>], vector<16xf32>,
      %parallel_loop3A_262 = arith.constant 7 : i32
      %parallel_loop3A_263 = vector.broadcast %parallel_loop3A_262 : i32 to vector<16xi32>
      %parallel_loop3A_264 = arith.shrsi %parallel_loop3A_165, %parallel_loop3A_263 : vector<16xi32>
      %parallel_loop3A_265 = arith.constant 127 : i32
      %parallel_loop3A_266 = vector.broadcast %parallel_loop3A_265 : i32 to vector<16xi32>
      %parallel_loop3A_267 = arith.andi %parallel_loop3A_165, %parallel_loop3A_266 : vector<16xi32>
      tpu.vector_store_idx %arg9[%parallel_loop3A_264, %parallel_loop3A_267], %parallel_loop3A_217 {add = true} : memref<80x128xf32, #tpu.memory_space<vmem>>[vector<16xi32>, vector<16xi32>], vector<16xf32>,
      %parallel_loop3A_268 = arith.constant 7 : i32
      %parallel_loop3A_269 = vector.broadcast %parallel_loop3A_268 : i32 to vector<16xi32>
      %parallel_loop3A_270 = arith.shrsi %parallel_loop3A_170, %parallel_loop3A_269 : vector<16xi32>
      %parallel_loop3A_271 = arith.constant 127 : i32
      %parallel_loop3A_272 = vector.broadcast %parallel_loop3A_271 : i32 to vector<16xi32>
      %parallel_loop3A_273 = arith.andi %parallel_loop3A_170, %parallel_loop3A_272 : vector<16xi32>
      tpu.vector_store_idx %arg9[%parallel_loop3A_270, %parallel_loop3A_273], %parallel_loop3A_224 {add = true} : memref<80x128xf32, #tpu.memory_space<vmem>>[vector<16xi32>, vector<16xi32>], vector<16xf32>,
      %parallel_loop3A_274 = arith.constant 7 : i32
      %parallel_loop3A_275 = vector.broadcast %parallel_loop3A_274 : i32 to vector<16xi32>
      %parallel_loop3A_276 = arith.shrsi %parallel_loop3A_175, %parallel_loop3A_275 : vector<16xi32>
      %parallel_loop3A_277 = arith.constant 127 : i32
      %parallel_loop3A_278 = vector.broadcast %parallel_loop3A_277 : i32 to vector<16xi32>
      %parallel_loop3A_279 = arith.andi %parallel_loop3A_175, %parallel_loop3A_278 : vector<16xi32>
      tpu.vector_store_idx %arg9[%parallel_loop3A_276, %parallel_loop3A_279], %parallel_loop3A_231 {add = true} : memref<80x128xf32, #tpu.memory_space<vmem>>[vector<16xi32>, vector<16xi32>], vector<16xf32>,
    } {sc.loop_unroll_factor = 1 : i64, sc.parallel_access}
    %convert_element_type3A_88 = arith.extui %lt3A_4 : i1 to i32
    %cond3A_89 = arith.constant 0 : i32
    %cond3A_90 = arith.cmpi ne, %convert_element_type3A_88, %cond3A_89 : i32
    scf.if %cond3A_90 {
      %get3A = arith.constant 0 : i32
      %get3A_95 = arith.constant 1 : i32
      %get3A_96 = arith.index_cast %get3A : i32 to index
      %get3A_97 = arith.index_cast %get3A_95 : i32 to index
      %get3A_98 = arith.constant 0 : index
      %get3A_99 = tpu.vector_load %arg7[%get3A_96, %get3A_97, %get3A_98] {strides = array<i32>} : memref<1x2x128xi32, #tpu.memory_space<vmem>>, vector<16xi32>,
      %get3A_100 = arith.constant 0 : i32
      %get3A_101 = arith.constant 0 : i32
      %get3A_102 = arith.index_cast %get3A_100 : i32 to index
      %get3A_103 = arith.index_cast %get3A_101 : i32 to index
      %get3A_104 = arith.constant 0 : index
      %get3A_105 = tpu.vector_load %arg7[%get3A_102, %get3A_103, %get3A_104] {strides = array<i32>} : memref<1x2x128xi32, #tpu.memory_space<vmem>>, vector<16xi32>,
      %shift_right_arithmetic3A = arith.constant 7 : i32
      %shift_right_arithmetic3A_106 = vector.broadcast %shift_right_arithmetic3A : i32 to vector<16xi32>
      %shift_right_arithmetic3A_107 = arith.shrsi %get3A_99, %shift_right_arithmetic3A_106 : vector<16xi32>
      %and3A_108 = arith.constant 127 : i32
      %and3A_109 = vector.broadcast %and3A_108 : i32 to vector<16xi32>
      %and3A_110 = arith.andi %get3A_99, %and3A_109 : vector<16xi32>
      %gather3A = tpu.vector_load_idx %arg8[%shift_right_arithmetic3A_107, %and3A_110] : memref<80x128xf32, #tpu.memory_space<vmem>>[vector<16xi32>, vector<16xi32>], vector<16xf32>,
      %shift_right_arithmetic3A_111 = arith.constant 7 : i32
      %shift_right_arithmetic3A_112 = vector.broadcast %shift_right_arithmetic3A_111 : i32 to vector<16xi32>
      %shift_right_arithmetic3A_113 = arith.shrsi %get3A_105, %shift_right_arithmetic3A_112 : vector<16xi32>
      %and3A_114 = arith.constant 127 : i32
      %and3A_115 = vector.broadcast %and3A_114 : i32 to vector<16xi32>
      %and3A_116 = arith.andi %get3A_105, %and3A_115 : vector<16xi32>
      tpu.vector_store_idx %arg9[%shift_right_arithmetic3A_113, %and3A_116], %gather3A {add = true} : memref<80x128xf32, #tpu.memory_space<vmem>>[vector<16xi32>, vector<16xi32>], vector<16xf32>,
      %get3A_117 = arith.constant 0 : i32
      %get3A_118 = arith.constant 1 : i32
      %get3A_119 = arith.index_cast %get3A_117 : i32 to index
      %get3A_120 = arith.index_cast %get3A_118 : i32 to index
      %get3A_121 = arith.constant 16 : index
      %get3A_122 = tpu.vector_load %arg7[%get3A_119, %get3A_120, %get3A_121] {strides = array<i32>} : memref<1x2x128xi32, #tpu.memory_space<vmem>>, vector<16xi32>,
      %get3A_123 = arith.constant 0 : i32
      %get3A_124 = arith.constant 0 : i32
      %get3A_125 = arith.index_cast %get3A_123 : i32 to index
      %get3A_126 = arith.index_cast %get3A_124 : i32 to index
      %get3A_127 = arith.constant 16 : index
      %get3A_128 = tpu.vector_load %arg7[%get3A_125, %get3A_126, %get3A_127] {strides = array<i32>} : memref<1x2x128xi32, #tpu.memory_space<vmem>>, vector<16xi32>,
      %shift_right_arithmetic3A_129 = arith.constant 7 : i32
      %shift_right_arithmetic3A_130 = vector.broadcast %shift_right_arithmetic3A_129 : i32 to vector<16xi32>
      %shift_right_arithmetic3A_131 = arith.shrsi %get3A_122, %shift_right_arithmetic3A_130 : vector<16xi32>
      %and3A_132 = arith.constant 127 : i32
      %and3A_133 = vector.broadcast %and3A_132 : i32 to vector<16xi32>
      %and3A_134 = arith.andi %get3A_122, %and3A_133 : vector<16xi32>
      %gather3A_135 = tpu.vector_load_idx %arg8[%shift_right_arithmetic3A_131, %and3A_134] : memref<80x128xf32, #tpu.memory_space<vmem>>[vector<16xi32>, vector<16xi32>], vector<16xf32>,
      %shift_right_arithmetic3A_136 = arith.constant 7 : i32
      %shift_right_arithmetic3A_137 = vector.broadcast %shift_right_arithmetic3A_136 : i32 to vector<16xi32>
      %shift_right_arithmetic3A_138 = arith.shrsi %get3A_128, %shift_right_arithmetic3A_137 : vector<16xi32>
      %and3A_139 = arith.constant 127 : i32
      %and3A_140 = vector.broadcast %and3A_139 : i32 to vector<16xi32>
      %and3A_141 = arith.andi %get3A_128, %and3A_140 : vector<16xi32>
      tpu.vector_store_idx %arg9[%shift_right_arithmetic3A_138, %and3A_141], %gather3A_135 {add = true} : memref<80x128xf32, #tpu.memory_space<vmem>>[vector<16xi32>, vector<16xi32>], vector<16xf32>,
      %get3A_142 = arith.constant 0 : i32
      %get3A_143 = arith.constant 1 : i32
      %get3A_144 = arith.index_cast %get3A_142 : i32 to index
      %get3A_145 = arith.index_cast %get3A_143 : i32 to index
      %get3A_146 = arith.constant 32 : index
      %get3A_147 = tpu.vector_load %arg7[%get3A_144, %get3A_145, %get3A_146] {strides = array<i32>} : memref<1x2x128xi32, #tpu.memory_space<vmem>>, vector<16xi32>,
      %get3A_148 = arith.constant 0 : i32
      %get3A_149 = arith.constant 0 : i32
      %get3A_150 = arith.index_cast %get3A_148 : i32 to index
      %get3A_151 = arith.index_cast %get3A_149 : i32 to index
      %get3A_152 = arith.constant 32 : index
      %get3A_153 = tpu.vector_load %arg7[%get3A_150, %get3A_151, %get3A_152] {strides = array<i32>} : memref<1x2x128xi32, #tpu.memory_space<vmem>>, vector<16xi32>,
      %shift_right_arithmetic3A_154 = arith.constant 7 : i32
      %shift_right_arithmetic3A_155 = vector.broadcast %shift_right_arithmetic3A_154 : i32 to vector<16xi32>
      %shift_right_arithmetic3A_156 = arith.shrsi %get3A_147, %shift_right_arithmetic3A_155 : vector<16xi32>
      %and3A_157 = arith.constant 127 : i32
      %and3A_158 = vector.broadcast %and3A_157 : i32 to vector<16xi32>
      %and3A_159 = arith.andi %get3A_147, %and3A_158 : vector<16xi32>
      %gather3A_160 = tpu.vector_load_idx %arg8[%shift_right_arithmetic3A_156, %and3A_159] : memref<80x128xf32, #tpu.memory_space<vmem>>[vector<16xi32>, vector<16xi32>], vector<16xf32>,
      %shift_right_arithmetic3A_161 = arith.constant 7 : i32
      %shift_right_arithmetic3A_162 = vector.broadcast %shift_right_arithmetic3A_161 : i32 to vector<16xi32>
      %shift_right_arithmetic3A_163 = arith.shrsi %get3A_153, %shift_right_arithmetic3A_162 : vector<16xi32>
      %and3A_164 = arith.constant 127 : i32
      %and3A_165 = vector.broadcast %and3A_164 : i32 to vector<16xi32>
      %and3A_166 = arith.andi %get3A_153, %and3A_165 : vector<16xi32>
      tpu.vector_store_idx %arg9[%shift_right_arithmetic3A_163, %and3A_166], %gather3A_160 {add = true} : memref<80x128xf32, #tpu.memory_space<vmem>>[vector<16xi32>, vector<16xi32>], vector<16xf32>,
      %get3A_167 = arith.constant 0 : i32
      %get3A_168 = arith.constant 1 : i32
      %get3A_169 = arith.index_cast %get3A_167 : i32 to index
      %get3A_170 = arith.index_cast %get3A_168 : i32 to index
      %get3A_171 = arith.constant 48 : index
      %get3A_172 = tpu.vector_load %arg7[%get3A_169, %get3A_170, %get3A_171] {strides = array<i32>} : memref<1x2x128xi32, #tpu.memory_space<vmem>>, vector<16xi32>,
      %get3A_173 = arith.constant 0 : i32
      %get3A_174 = arith.constant 0 : i32
      %get3A_175 = arith.index_cast %get3A_173 : i32 to index
      %get3A_176 = arith.index_cast %get3A_174 : i32 to index
      %get3A_177 = arith.constant 48 : index
      %get3A_178 = tpu.vector_load %arg7[%get3A_175, %get3A_176, %get3A_177] {strides = array<i32>} : memref<1x2x128xi32, #tpu.memory_space<vmem>>, vector<16xi32>,
      %shift_right_arithmetic3A_179 = arith.constant 7 : i32
      %shift_right_arithmetic3A_180 = vector.broadcast %shift_right_arithmetic3A_179 : i32 to vector<16xi32>
      %shift_right_arithmetic3A_181 = arith.shrsi %get3A_172, %shift_right_arithmetic3A_180 : vector<16xi32>
      %and3A_182 = arith.constant 127 : i32
      %and3A_183 = vector.broadcast %and3A_182 : i32 to vector<16xi32>
      %and3A_184 = arith.andi %get3A_172, %and3A_183 : vector<16xi32>
      %gather3A_185 = tpu.vector_load_idx %arg8[%shift_right_arithmetic3A_181, %and3A_184] : memref<80x128xf32, #tpu.memory_space<vmem>>[vector<16xi32>, vector<16xi32>], vector<16xf32>,
      %shift_right_arithmetic3A_186 = arith.constant 7 : i32
      %shift_right_arithmetic3A_187 = vector.broadcast %shift_right_arithmetic3A_186 : i32 to vector<16xi32>
      %shift_right_arithmetic3A_188 = arith.shrsi %get3A_178, %shift_right_arithmetic3A_187 : vector<16xi32>
      %and3A_189 = arith.constant 127 : i32
      %and3A_190 = vector.broadcast %and3A_189 : i32 to vector<16xi32>
      %and3A_191 = arith.andi %get3A_178, %and3A_190 : vector<16xi32>
      tpu.vector_store_idx %arg9[%shift_right_arithmetic3A_188, %and3A_191], %gather3A_185 {add = true} : memref<80x128xf32, #tpu.memory_space<vmem>>[vector<16xi32>, vector<16xi32>], vector<16xf32>,
      %get3A_192 = arith.constant 0 : i32
      %get3A_193 = arith.constant 1 : i32
      %get3A_194 = arith.index_cast %get3A_192 : i32 to index
      %get3A_195 = arith.index_cast %get3A_193 : i32 to index
      %get3A_196 = arith.constant 64 : index
      %get3A_197 = tpu.vector_load %arg7[%get3A_194, %get3A_195, %get3A_196] {strides = array<i32>} : memref<1x2x128xi32, #tpu.memory_space<vmem>>, vector<16xi32>,
      %get3A_198 = arith.constant 0 : i32
      %get3A_199 = arith.constant 0 : i32
      %get3A_200 = arith.index_cast %get3A_198 : i32 to index
      %get3A_201 = arith.index_cast %get3A_199 : i32 to index
      %get3A_202 = arith.constant 64 : index
      %get3A_203 = tpu.vector_load %arg7[%get3A_200, %get3A_201, %get3A_202] {strides = array<i32>} : memref<1x2x128xi32, #tpu.memory_space<vmem>>, vector<16xi32>,
      %shift_right_arithmetic3A_204 = arith.constant 7 : i32
      %shift_right_arithmetic3A_205 = vector.broadcast %shift_right_arithmetic3A_204 : i32 to vector<16xi32>
      %shift_right_arithmetic3A_206 = arith.shrsi %get3A_197, %shift_right_arithmetic3A_205 : vector<16xi32>
      %and3A_207 = arith.constant 127 : i32
      %and3A_208 = vector.broadcast %and3A_207 : i32 to vector<16xi32>
      %and3A_209 = arith.andi %get3A_197, %and3A_208 : vector<16xi32>
      %gather3A_210 = tpu.vector_load_idx %arg8[%shift_right_arithmetic3A_206, %and3A_209] : memref<80x128xf32, #tpu.memory_space<vmem>>[vector<16xi32>, vector<16xi32>], vector<16xf32>,
      %shift_right_arithmetic3A_211 = arith.constant 7 : i32
      %shift_right_arithmetic3A_212 = vector.broadcast %shift_right_arithmetic3A_211 : i32 to vector<16xi32>
      %shift_right_arithmetic3A_213 = arith.shrsi %get3A_203, %shift_right_arithmetic3A_212 : vector<16xi32>
      %and3A_214 = arith.constant 127 : i32
      %and3A_215 = vector.broadcast %and3A_214 : i32 to vector<16xi32>
      %and3A_216 = arith.andi %get3A_203, %and3A_215 : vector<16xi32>
      tpu.vector_store_idx %arg9[%shift_right_arithmetic3A_213, %and3A_216], %gather3A_210 {add = true} : memref<80x128xf32, #tpu.memory_space<vmem>>[vector<16xi32>, vector<16xi32>], vector<16xf32>,
      %get3A_217 = arith.constant 0 : i32
      %get3A_218 = arith.constant 1 : i32
      %get3A_219 = arith.index_cast %get3A_217 : i32 to index
      %get3A_220 = arith.index_cast %get3A_218 : i32 to index
      %get3A_221 = arith.constant 80 : index
      %get3A_222 = tpu.vector_load %arg7[%get3A_219, %get3A_220, %get3A_221] {strides = array<i32>} : memref<1x2x128xi32, #tpu.memory_space<vmem>>, vector<16xi32>,
      %get3A_223 = arith.constant 0 : i32
      %get3A_224 = arith.constant 0 : i32
      %get3A_225 = arith.index_cast %get3A_223 : i32 to index
      %get3A_226 = arith.index_cast %get3A_224 : i32 to index
      %get3A_227 = arith.constant 80 : index
      %get3A_228 = tpu.vector_load %arg7[%get3A_225, %get3A_226, %get3A_227] {strides = array<i32>} : memref<1x2x128xi32, #tpu.memory_space<vmem>>, vector<16xi32>,
      %shift_right_arithmetic3A_229 = arith.constant 7 : i32
      %shift_right_arithmetic3A_230 = vector.broadcast %shift_right_arithmetic3A_229 : i32 to vector<16xi32>
      %shift_right_arithmetic3A_231 = arith.shrsi %get3A_222, %shift_right_arithmetic3A_230 : vector<16xi32>
      %and3A_232 = arith.constant 127 : i32
      %and3A_233 = vector.broadcast %and3A_232 : i32 to vector<16xi32>
      %and3A_234 = arith.andi %get3A_222, %and3A_233 : vector<16xi32>
      %gather3A_235 = tpu.vector_load_idx %arg8[%shift_right_arithmetic3A_231, %and3A_234] : memref<80x128xf32, #tpu.memory_space<vmem>>[vector<16xi32>, vector<16xi32>], vector<16xf32>,
      %shift_right_arithmetic3A_236 = arith.constant 7 : i32
      %shift_right_arithmetic3A_237 = vector.broadcast %shift_right_arithmetic3A_236 : i32 to vector<16xi32>
      %shift_right_arithmetic3A_238 = arith.shrsi %get3A_228, %shift_right_arithmetic3A_237 : vector<16xi32>
      %and3A_239 = arith.constant 127 : i32
      %and3A_240 = vector.broadcast %and3A_239 : i32 to vector<16xi32>
      %and3A_241 = arith.andi %get3A_228, %and3A_240 : vector<16xi32>
      tpu.vector_store_idx %arg9[%shift_right_arithmetic3A_238, %and3A_241], %gather3A_235 {add = true} : memref<80x128xf32, #tpu.memory_space<vmem>>[vector<16xi32>, vector<16xi32>], vector<16xf32>,
      %get3A_242 = arith.constant 0 : i32
      %get3A_243 = arith.constant 1 : i32
      %get3A_244 = arith.index_cast %get3A_242 : i32 to index
      %get3A_245 = arith.index_cast %get3A_243 : i32 to index
      %get3A_246 = arith.constant 96 : index
      %get3A_247 = tpu.vector_load %arg7[%get3A_244, %get3A_245, %get3A_246] {strides = array<i32>} : memref<1x2x128xi32, #tpu.memory_space<vmem>>, vector<16xi32>,
      %get3A_248 = arith.constant 0 : i32
      %get3A_249 = arith.constant 0 : i32
      %get3A_250 = arith.index_cast %get3A_248 : i32 to index
      %get3A_251 = arith.index_cast %get3A_249 : i32 to index
      %get3A_252 = arith.constant 96 : index
      %get3A_253 = tpu.vector_load %arg7[%get3A_250, %get3A_251, %get3A_252] {strides = array<i32>} : memref<1x2x128xi32, #tpu.memory_space<vmem>>, vector<16xi32>,
      %shift_right_arithmetic3A_254 = arith.constant 7 : i32
      %shift_right_arithmetic3A_255 = vector.broadcast %shift_right_arithmetic3A_254 : i32 to vector<16xi32>
      %shift_right_arithmetic3A_256 = arith.shrsi %get3A_247, %shift_right_arithmetic3A_255 : vector<16xi32>
      %and3A_257 = arith.constant 127 : i32
      %and3A_258 = vector.broadcast %and3A_257 : i32 to vector<16xi32>
      %and3A_259 = arith.andi %get3A_247, %and3A_258 : vector<16xi32>
      %gather3A_260 = tpu.vector_load_idx %arg8[%shift_right_arithmetic3A_256, %and3A_259] : memref<80x128xf32, #tpu.memory_space<vmem>>[vector<16xi32>, vector<16xi32>], vector<16xf32>,
      %shift_right_arithmetic3A_261 = arith.constant 7 : i32
      %shift_right_arithmetic3A_262 = vector.broadcast %shift_right_arithmetic3A_261 : i32 to vector<16xi32>
      %shift_right_arithmetic3A_263 = arith.shrsi %get3A_253, %shift_right_arithmetic3A_262 : vector<16xi32>
      %and3A_264 = arith.constant 127 : i32
      %and3A_265 = vector.broadcast %and3A_264 : i32 to vector<16xi32>
      %and3A_266 = arith.andi %get3A_253, %and3A_265 : vector<16xi32>
      tpu.vector_store_idx %arg9[%shift_right_arithmetic3A_263, %and3A_266], %gather3A_260 {add = true} : memref<80x128xf32, #tpu.memory_space<vmem>>[vector<16xi32>, vector<16xi32>], vector<16xf32>,
      %get3A_267 = arith.constant 0 : i32
      %get3A_268 = arith.constant 1 : i32
      %get3A_269 = arith.index_cast %get3A_267 : i32 to index
      %get3A_270 = arith.index_cast %get3A_268 : i32 to index
      %get3A_271 = arith.constant 112 : index
      %get3A_272 = tpu.vector_load %arg7[%get3A_269, %get3A_270, %get3A_271] {strides = array<i32>} : memref<1x2x128xi32, #tpu.memory_space<vmem>>, vector<16xi32>,
      %get3A_273 = arith.constant 0 : i32
      %get3A_274 = arith.constant 0 : i32
      %get3A_275 = arith.index_cast %get3A_273 : i32 to index
      %get3A_276 = arith.index_cast %get3A_274 : i32 to index
      %get3A_277 = arith.constant 112 : index
      %get3A_278 = tpu.vector_load %arg7[%get3A_275, %get3A_276, %get3A_277] {strides = array<i32>} : memref<1x2x128xi32, #tpu.memory_space<vmem>>, vector<16xi32>,
      %shift_right_arithmetic3A_279 = arith.constant 7 : i32
      %shift_right_arithmetic3A_280 = vector.broadcast %shift_right_arithmetic3A_279 : i32 to vector<16xi32>
      %shift_right_arithmetic3A_281 = arith.shrsi %get3A_272, %shift_right_arithmetic3A_280 : vector<16xi32>
      %and3A_282 = arith.constant 127 : i32
      %and3A_283 = vector.broadcast %and3A_282 : i32 to vector<16xi32>
      %and3A_284 = arith.andi %get3A_272, %and3A_283 : vector<16xi32>
      %gather3A_285 = tpu.vector_load_idx %arg8[%shift_right_arithmetic3A_281, %and3A_284] : memref<80x128xf32, #tpu.memory_space<vmem>>[vector<16xi32>, vector<16xi32>], vector<16xf32>,
      %shift_right_arithmetic3A_286 = arith.constant 7 : i32
      %shift_right_arithmetic3A_287 = vector.broadcast %shift_right_arithmetic3A_286 : i32 to vector<16xi32>
      %shift_right_arithmetic3A_288 = arith.shrsi %get3A_278, %shift_right_arithmetic3A_287 : vector<16xi32>
      %and3A_289 = arith.constant 127 : i32
      %and3A_290 = vector.broadcast %and3A_289 : i32 to vector<16xi32>
      %and3A_291 = arith.andi %get3A_278, %and3A_290 : vector<16xi32>
      tpu.vector_store_idx %arg9[%shift_right_arithmetic3A_288, %and3A_291], %gather3A_285 {add = true} : memref<80x128xf32, #tpu.memory_space<vmem>>[vector<16xi32>, vector<16xi32>], vector<16xf32>,
    } else {
    }
    "tpu.region"() ({
      %run_scoped3A = tpu.sem_alloc : memref<!tpu.dma_semaphore, #tpu.memory_space<semaphore_mem>>
      %dma_start3A = arith.constant 0 : i32
      %dma_start3A_95 = arith.constant 0 : i32
      %dma_start3A_96 = tpu.memref_slice %arg13[%dma_start3A, %dma_start3A_95] : memref<80x128xf32, #tpu.memory_space<vmem_shared>> -> memref<80x128xf32, #tpu.memory_space<vmem_shared>>
      tpu.enqueue_indirect_dma source(%arg9 : memref<80x128xf32, #tpu.memory_space<vmem>>) target(%dma_start3A_96 : memref<80x128xf32, #tpu.memory_space<vmem_shared>>) offsets(%arg12 : memref<80xi32, #tpu.memory_space<vmem>>) semaphore(%run_scoped3A : memref<!tpu.dma_semaphore, #tpu.memory_space<semaphore_mem>>) {add = true}
      %dma_wait3A = arith.constant 0 : i32
      %dma_wait3A_97 = arith.constant 0 : i32
      %dma_wait3A_98 = tpu.memref_slice %arg13[%dma_wait3A, %dma_wait3A_97] : memref<80x128xf32, #tpu.memory_space<vmem_shared>> -> memref<80x128xf32, #tpu.memory_space<vmem_shared>>
      tpu.wait_indirect_dma semaphore(%run_scoped3A : memref<!tpu.dma_semaphore, #tpu.memory_space<semaphore_mem>>) src(%arg9 : memref<80x128xf32, #tpu.memory_space<vmem>>) dst(%dma_wait3A_98 : memref<80x128xf32, #tpu.memory_space<vmem_shared>>)
      tpu.yield
    }) : () -> ()
    %barrier3A_91 = arith.constant 0 : index
    tpu.barrier barrier_id(%barrier3A_91)
    %convert_element_type3A_92 = arith.extui %and3A : i1 to i32
    %cond3A_93 = arith.constant 0 : i32
    %cond3A_94 = arith.cmpi ne, %convert_element_type3A_92, %cond3A_93 : i32
    scf.if %cond3A_94 {
      "tpu.region"() ({
        %run_scoped3A = tpu.sem_alloc : memref<!tpu.dma_semaphore, #tpu.memory_space<semaphore_mem>>
        tpu.enqueue_dma source(%arg13 : memref<80x128xf32, #tpu.memory_space<vmem_shared>>) target(%arg5 : memref<80x128xf32, #tpu.memory_space<hbm>>) target_semaphore(%run_scoped3A : memref<!tpu.dma_semaphore, #tpu.memory_space<semaphore_mem>>)
        tpu.wait_dma2 semaphore(%run_scoped3A : memref<!tpu.dma_semaphore, #tpu.memory_space<semaphore_mem>>) src(%arg13 : memref<80x128xf32, #tpu.memory_space<vmem_shared>>) dst(%arg5 : memref<80x128xf32, #tpu.memory_space<hbm>>)
        tpu.yield
      }) : () -> ()
    } else {
    }
    return
  }
}

module attributes {stable_mosaic.version = 14 : i64} {
  func.func @body(%arg0: memref<1x10000xf32, #tpu.memory_space<vmem>>, %arg1: memref<1x10000xf32, #tpu.memory_space<vmem>>, %arg2: memref<10000x128xf32, #tpu.memory_space<vmem>>, %arg3: memref<128x128xf32, #tpu.memory_space<vmem>>, %arg4: memref<1x128xf32, #tpu.memory_space<vmem>>, %arg5: memref<128x128xf32, #tpu.memory_space<vmem>>, %arg6: memref<128x128xf32, #tpu.memory_space<vmem>>, %arg7: memref<1x128xf32, #tpu.memory_space<vmem>>, %arg8: memref<128x128xf32, #tpu.memory_space<vmem>>, %arg9: memref<128x64xf32, #tpu.memory_space<vmem>>, %arg10: memref<1x64xf32, #tpu.memory_space<vmem>>, %arg11: memref<1x64xf32, #tpu.memory_space<vmem>>) attributes {dimension_semantics = [], scalar_prefetch = 0 : i64, scratch_operands = 0 : i64, tpu.core_type = #tpu.core_type<tc>} {
    %broadcast_in_dim3A = arith.constant 1.000000e+00 : f32
    %broadcast_in_dim3A_0 = vector.broadcast %broadcast_in_dim3A : f32 to vector<1x10000xf32>
    %get3A = arith.constant 0 : index
    %get3A_1 = arith.constant 0 : index
    %get3A_2 = vector.load %arg0[%get3A, %get3A_1] : memref<1x10000xf32, #tpu.memory_space<vmem>>, vector<1x10000xf32>
    %get3A_3 = arith.constant 0 : index
    %get3A_4 = arith.constant 0 : index
    %get3A_5 = vector.load %arg1[%get3A_3, %get3A_4] : memref<1x10000xf32, #tpu.memory_space<vmem>>, vector<1x10000xf32>
    %concatenate3A = tpu.concatenate %broadcast_in_dim3A_0, %get3A_2, %get3A_5 in 0 : vector<1x10000xf32>, vector<1x10000xf32>, vector<1x10000xf32> -> vector<3x10000xf32>
    %get3A_6 = arith.constant 0 : index
    %get3A_7 = arith.constant 0 : index
    %get3A_8 = vector.load %arg2[%get3A_6, %get3A_7] : memref<10000x128xf32, #tpu.memory_space<vmem>>, vector<10000x128xf32>
    %dot_general3A = arith.constant dense<0.000000e+00> : vector<3x128xf32>
    %dot_general3A_9 = tpu.matmul %concatenate3A, %get3A_8, %dot_general3A {dimension_numbers = #tpu.dot_dimension_numbers<[1], [0], [0], [1], [0, 0, 1, 1], [], []>, precision = #tpu.contract_precision<fp32>, transpose_lhs_hint = false} : vector<3x10000xf32>, vector<10000x128xf32>, vector<3x128xf32> -> vector<3x128xf32>
    %get3A_10 = arith.constant 0 : index
    %get3A_11 = arith.constant 0 : index
    %get3A_12 = vector.load %arg3[%get3A_10, %get3A_11] : memref<128x128xf32, #tpu.memory_space<vmem>>, vector<128x128xf32>
    %dot_general3A_13 = arith.constant dense<0.000000e+00> : vector<3x128xf32>
    %dot_general3A_14 = tpu.matmul %dot_general3A_9, %get3A_12, %dot_general3A_13 {dimension_numbers = #tpu.dot_dimension_numbers<[1], [0], [0], [1], [0, 0, 1, 1], [], []>, precision = #tpu.contract_precision<fp32>, transpose_lhs_hint = false} : vector<3x128xf32>, vector<128x128xf32>, vector<3x128xf32> -> vector<3x128xf32>
    %get3A_15 = arith.constant 0 : index
    %get3A_16 = arith.constant 0 : index
    %get3A_17 = vector.load %arg5[%get3A_15, %get3A_16] : memref<128x128xf32, #tpu.memory_space<vmem>>, vector<128x128xf32>
    %dot_general3A_18 = arith.constant dense<0.000000e+00> : vector<3x128xf32>
    %dot_general3A_19 = tpu.matmul %dot_general3A_9, %get3A_17, %dot_general3A_18 {dimension_numbers = #tpu.dot_dimension_numbers<[1], [0], [0], [1], [0, 0, 1, 1], [], []>, precision = #tpu.contract_precision<fp32>, transpose_lhs_hint = false} : vector<3x128xf32>, vector<128x128xf32>, vector<3x128xf32> -> vector<3x128xf32>
    %get3A_20 = arith.constant 0 : index
    %get3A_21 = arith.constant 0 : index
    %get3A_22 = vector.load %arg0[%get3A_20, %get3A_21] : memref<1x10000xf32, #tpu.memory_space<vmem>>, vector<1x10000xf32>
    %reduce_sum3A = vector.shape_cast %get3A_22 : vector<1x10000xf32> to vector<1x1x10000xf32>
    %reduce_sum3A_23 = arith.constant dense<0.000000e+00> : vector<1xf32>
    %reduce_sum3A_24 = vector.multi_reduction <add>, %reduce_sum3A, %reduce_sum3A_23 [1, 2] : vector<1x1x10000xf32> to vector<1xf32>
    %reduce_sum3A_25 = vector.shape_cast %reduce_sum3A_24 : vector<1xf32> to vector<1x1x1xf32>
    %reduce_sum3A_26 = vector.extract %reduce_sum3A_25[0, 0, 0] : f32 from vector<1x1x1xf32>
    %get3A_27 = arith.constant 0 : index
    %get3A_28 = arith.constant 0 : index
    %get3A_29 = vector.load %arg4[%get3A_27, %get3A_28] : memref<1x128xf32, #tpu.memory_space<vmem>>, vector<1x128xf32>
    %slice3A = vector.extract_strided_slice %dot_general3A_14 {offsets = [1, 0], sizes = [1, 128], strides = [1, 1]} : vector<3x128xf32> to vector<1x128xf32>
    %mul3A = arith.constant 1.000000e+04 : f32
    %mul3A_30 = vector.broadcast %mul3A : f32 to vector<1x128xf32>
    %mul3A_31 = arith.mulf %mul3A_30, %get3A_29 : vector<1x128xf32>
    %add3A = arith.addf %slice3A, %mul3A_31 : vector<1x128xf32>
    %slice3A_32 = vector.extract_strided_slice %dot_general3A_19 {offsets = [0, 0], sizes = [1, 128], strides = [1, 1]} : vector<3x128xf32> to vector<1x128xf32>
    %add3A_33 = arith.addf %add3A, %slice3A_32 : vector<1x128xf32>
    %slice3A_34 = vector.extract_strided_slice %dot_general3A_14 {offsets = [2, 0], sizes = [1, 128], strides = [1, 1]} : vector<3x128xf32> to vector<1x128xf32>
    %mul3A_35 = vector.broadcast %reduce_sum3A_26 : f32 to vector<1x128xf32>
    %mul3A_36 = arith.mulf %mul3A_35, %get3A_29 : vector<1x128xf32>
    %add3A_37 = arith.addf %slice3A_34, %mul3A_36 : vector<1x128xf32>
    %slice3A_38 = vector.extract_strided_slice %dot_general3A_19 {offsets = [1, 0], sizes = [1, 128], strides = [1, 1]} : vector<3x128xf32> to vector<1x128xf32>
    %add3A_39 = arith.addf %add3A_37, %slice3A_38 : vector<1x128xf32>
    %concatenate3A_40 = tpu.concatenate %add3A_33, %add3A_39 in 0 : vector<1x128xf32>, vector<1x128xf32> -> vector<2x128xf32>
    %get3A_41 = arith.constant 0 : index
    %get3A_42 = arith.constant 0 : index
    %get3A_43 = vector.load %arg6[%get3A_41, %get3A_42] : memref<128x128xf32, #tpu.memory_space<vmem>>, vector<128x128xf32>
    %dot_general3A_44 = arith.constant dense<0.000000e+00> : vector<2x128xf32>
    %dot_general3A_45 = tpu.matmul %concatenate3A_40, %get3A_43, %dot_general3A_44 {dimension_numbers = #tpu.dot_dimension_numbers<[1], [0], [0], [1], [0, 0, 1, 1], [], []>, precision = #tpu.contract_precision<fp32>, transpose_lhs_hint = false} : vector<2x128xf32>, vector<128x128xf32>, vector<2x128xf32> -> vector<2x128xf32>
    %get3A_46 = arith.constant 0 : index
    %get3A_47 = arith.constant 0 : index
    %get3A_48 = vector.load %arg8[%get3A_46, %get3A_47] : memref<128x128xf32, #tpu.memory_space<vmem>>, vector<128x128xf32>
    %dot_general3A_49 = arith.constant dense<0.000000e+00> : vector<2x128xf32>
    %dot_general3A_50 = tpu.matmul %concatenate3A_40, %get3A_48, %dot_general3A_49 {dimension_numbers = #tpu.dot_dimension_numbers<[1], [0], [0], [1], [0, 0, 1, 1], [], []>, precision = #tpu.contract_precision<fp32>, transpose_lhs_hint = false} : vector<2x128xf32>, vector<128x128xf32>, vector<2x128xf32> -> vector<2x128xf32>
    %slice3A_51 = vector.extract_strided_slice %dot_general3A_45 {offsets = [1, 0], sizes = [1, 128], strides = [1, 1]} : vector<2x128xf32> to vector<1x128xf32>
    %get3A_52 = arith.constant 0 : index
    %get3A_53 = arith.constant 0 : index
    %get3A_54 = vector.load %arg7[%get3A_52, %get3A_53] : memref<1x128xf32, #tpu.memory_space<vmem>>, vector<1x128xf32>
    %mul3A_55 = arith.constant 1.000000e+04 : f32
    %mul3A_56 = vector.broadcast %mul3A_55 : f32 to vector<1x128xf32>
    %mul3A_57 = arith.mulf %mul3A_56, %get3A_54 : vector<1x128xf32>
    %add3A_58 = arith.addf %slice3A_51, %mul3A_57 : vector<1x128xf32>
    %slice3A_59 = vector.extract_strided_slice %dot_general3A_50 {offsets = [0, 0], sizes = [1, 128], strides = [1, 1]} : vector<2x128xf32> to vector<1x128xf32>
    %add3A_60 = arith.addf %add3A_58, %slice3A_59 : vector<1x128xf32>
    %mul3A_61 = arith.constant 9.99999974E-5 : f32
    %mul3A_62 = vector.broadcast %mul3A_61 : f32 to vector<1x128xf32>
    %mul3A_63 = arith.mulf %add3A_60, %mul3A_62 : vector<1x128xf32>
    %get3A_64 = arith.constant 0 : index
    %get3A_65 = arith.constant 0 : index
    %get3A_66 = vector.load %arg9[%get3A_64, %get3A_65] : memref<128x64xf32, #tpu.memory_space<vmem>>, vector<128x64xf32>
    %dot_general3A_67 = arith.constant dense<0.000000e+00> : vector<1x64xf32>
    %dot_general3A_68 = tpu.matmul %mul3A_63, %get3A_66, %dot_general3A_67 {dimension_numbers = #tpu.dot_dimension_numbers<[1], [0], [0], [1], [0, 0, 1, 1], [], []>, precision = #tpu.contract_precision<fp32>, transpose_lhs_hint = false} : vector<1x128xf32>, vector<128x64xf32>, vector<1x64xf32> -> vector<1x64xf32>
    %get3A_69 = arith.constant 0 : index
    %get3A_70 = arith.constant 0 : index
    %get3A_71 = vector.load %arg10[%get3A_69, %get3A_70] : memref<1x64xf32, #tpu.memory_space<vmem>>, vector<1x64xf32>
    %add3A_72 = arith.addf %dot_general3A_68, %get3A_71 : vector<1x64xf32>
    %swap3A = arith.constant 0 : index
    %swap3A_73 = arith.constant 0 : index
    %swap3A_74 = vector.load %arg11[%swap3A, %swap3A_73] : memref<1x64xf32, #tpu.memory_space<vmem>>, vector<1x64xf32>
    tpu.vector_store %arg11[%swap3A, %swap3A_73], %add3A_72 {strides = array<i32>} : memref<1x64xf32, #tpu.memory_space<vmem>>, vector<1x64xf32>,
    return
  }
}

</mosaic_0001>

<sc_bundles>
// kernel: kernel.4.cloned.1.call-start
scs
__scs_entry_jumppad:
0x0: {  	(pc) =	sbr.rel $0x88, $3  }
0x1: {  	(tag) =	ssettag $0x0;
	lr =	simm.s32 $0x1  }
0x2: {  	[smem:$0x3F97] =	sst lr;
	_ =	strace $0xD0000000  }
0x3: {  	_ = 	snop  }
0x4: {  	_ = 	snop  }
0x5: {  	_ = 	snop  }
0x6: {  	_ = 	snop  }
0x7: {  	_ = 	snop  }
__scs_overlays_trampoline_lowered:
0x8: {  	[smem:$0x3FA6] =	sst s0  }
0x9: {  	[smem:$0x3FA7] =	sst s1  }
0xa: {  	[smem:$0x3FA8] =	sst s2  }
0xb: {  	[smem:$0x3FA9] =	sst s3  }
0xc: {  	[smem:$0x3FAA] =	sst s4  }
0xd: {  	[smem:$0x3FAB] =	sst s5  }
0xe: {  	[smem:$0x3FAC] =	sst s6  }
0xf: {  	[smem:$0x3FAD] =	sst s7  }
0x10: {  	[smem:$0x3FAE] =	sst s8  }
0x11: {  	[smem:$0x3FAF] =	sst s9;
	s0 =	simm.s32 @!p0 $0x0  }
0x12: {  	s1 =	sld [smem:$0x3F95];
	s0 =	simm.s32 @p0 $0x1  }
0x13: {  	[smem:$0x3FB0] =	sst s0;
	s0 =	simm.s32 @!p1 $0x0  }
0x14: {  	s2 =	sld [smem:$0x3F94];
	s0 =	simm.s32 @p1 $0x1  }
0x15: {  	[smem:$0x3FB1] =	sst s0;
	s0 =	simm.s32 @!p2 $0x0  }
0x16: {  	s3 =	sld [smem:$0x3FDB];
	s0 =	simm.s32 @p2 $0x1  }
0x17: {  	s4 =	simm.s32 $0x1BF5;
	[smem:$0x3FB3] =	sst s0  }
0x18: {  	s0 =	sld [smem:$0x3F96];
	_ =	swait.ge [sflag:s4], $0x0  }
0x19: {  	s7 =	sld [smem:$0x3F97]  }
0x1a: {  	s8 =	sadd.s32 $0xFFFFE003, lr  }
0x1b: {  	s9 =	sadd.s32 $0xFFFFFEF7, lr;
	s5 =	simm.s32 $0xFFFFFFFF;
	p2 =	slt.u32 s8, $0xFFFFF086  }
0x1c: {  	p1 =	slt.u32 s9, $0xF7A;
	s5 =	simm.s32 @!p2 $0x0  }
0x1d: {  	s5 =	simm.s32 @p1 $0x1;
	p0 =	seq.s32 s7, s2  }
0x1e: {  	s7 =	smul.u32 @!p0 $0xF7A, s2;
	p2 =	seq.s32 @!p0 s5, $0x0  }
0x1f: {  	s9 =	smul.u32 $0xF7A, s1;
	s8 =	simm.s32 @!p0 $0x1BF5;
	p2 =	por !p2, p0  }
0x20: {  	[sflag:s8] =	ssyncset.s32 @!p0 $0xFFFFF086;
	s6 =	sadd.s32 @!p0 s3, s7;
	s7 =	simm.s32 @!p0 $0x108  }
0x21: {  	s3 =	sadd.s32 s3, s9;
	s6 =	sadd.s32 @!p0 $0x88, s6;
	s7 =	simm.s32 @p2 $0x1082  }
0x22: {  	[simem:s7], [sflag:s8] =	dma.local @!p0 [hbm:s6], $0xF7A  }
0x23: {  	s9 =	sor.u32 $0xD0000000, s2;
	s6 =	simm.s32 $0x108;
	_ =	swait.ge @!p0 [sflag:s8], $0x0  }
0x24: {  	s3 =	sadd.s32 $0x88, s3;
	s6 =	simm.s32 @!p1 $0x1082;
	[sflag:s4] =	ssyncset.s32 $0xFFFFF086  }
0x25: {  	[simem:s6], [sflag:s4] =	dma.local [hbm:s3], $0xF7A  }
0x26: {  	[smem:$0x3F97] =	sst s1;
	(tag) =	ssettag s2;
	_ =	strace s9  }
0x27: {  	s1 =	sld [smem:$0x3FA7]  }
0x28: {  	s2 =	sld [smem:$0x3FA8]  }
0x29: {  	s4 =	sld [smem:$0x3FAA]  }
0x2a: {  	p0 =	seq.s32 s5, $0x0;
	s5 =	sld [smem:$0x3FAB]  }
0x2b: {  	s6 =	sld [smem:$0x3FAC]  }
0x2c: {  	s7 =	sld [smem:$0x3FAD]  }
0x2d: {  	s3 =	simm.s32 $0x108;
	s8 =	sld [smem:$0x3FAE]  }
0x2e: {  	s3 =	simm.s32 @!p0 $0x1082;
	s9 =	sld [smem:$0x3FAF]  }
0x2f: {  	lr =	sadd.s32 s0, s3;
	s0 =	sld [smem:$0x3FA6]  }
0x30: {  	s3 =	sld [smem:$0x3FA9]  }
0x31: {  	[smem:$0x3FB2] =	sst s10  }
0x32: {  	s10 =	sld [smem:$0x3FB0];
	_ =	sdelay $0x3  }
0x33: {  	p0 =	seq.s32 s10, $0x1;
	s10 =	sld [smem:$0x3FB2];
	_ =	sdelay $0x3  }
0x34: {  	[smem:$0x3FB2] =	sst s10  }
0x35: {  	s10 =	sld [smem:$0x3FB1];
	_ =	sdelay $0x3  }
0x36: {  	p1 =	seq.s32 s10, $0x1;
	s10 =	sld [smem:$0x3FB2];
	_ =	sdelay $0x3  }
0x37: {  	[smem:$0x3FB2] =	sst s10  }
0x38: {  	s10 =	sld [smem:$0x3FB3]  }
0x39: {  	_ = 	snop;
	(pc) =	sbr.ind lr, $3  }
0x3a: {  	_ = 	snop  }
0x3b: {  	_ = 	snop  }
0x3c: {  	p2 =	seq.s32 s10, $0x1;
	s10 =	sld [smem:$0x3FB2]  }
0x3d: {  	_ =	shalt  }
0x3e: {  	_ =	shalt  }
0x3f: {  	_ =	shalt  }
0x40: {  	_ =	shalt  }
0x41: {  	_ =	shalt  }
0x42: {  	_ =	shalt  }
0x43: {  	_ =	shalt  }
0x44: {  	_ =	shalt  }
0x45: {  	_ =	shalt  }
0x46: {  	_ =	shalt  }
0x47: {  	_ =	shalt  }
0x48: {  	_ =	shalt  }
0x49: {  	_ =	shalt  }
0x4a: {  	_ =	shalt  }
0x4b: {  	_ =	shalt  }
0x4c: {  	_ =	shalt  }
0x4d: {  	_ =	shalt  }
0x4e: {  	_ =	shalt  }
0x4f: {  	_ =	shalt  }
0x50: {  	_ =	shalt  }
0x51: {  	_ =	shalt  }
0x52: {  	_ =	shalt  }
0x53: {  	_ =	shalt  }
0x54: {  	_ =	shalt  }
0x55: {  	_ =	shalt  }
0x56: {  	_ =	shalt  }
0x57: {  	_ =	shalt  }
0x58: {  	_ =	shalt  }
0x59: {  	_ =	shalt  }
0x5a: {  	_ =	shalt  }
0x5b: {  	_ =	shalt  }
0x5c: {  	_ =	shalt  }
0x5d: {  	_ =	shalt  }
0x5e: {  	_ =	shalt  }
0x5f: {  	_ =	shalt  }
0x60: {  	_ =	shalt  }
0x61: {  	_ =	shalt  }
0x62: {  	_ =	shalt  }
0x63: {  	_ =	shalt  }
0x64: {  	_ =	shalt  }
0x65: {  	_ =	shalt  }
0x66: {  	_ =	shalt  }
0x67: {  	_ =	shalt  }
0x68: {  	_ =	shalt  }
0x69: {  	_ =	shalt  }
0x6a: {  	_ =	shalt  }
0x6b: {  	_ =	shalt  }
0x6c: {  	_ =	shalt  }
0x6d: {  	_ =	shalt  }
0x6e: {  	_ =	shalt  }
0x6f: {  	_ =	shalt  }
0x70: {  	_ =	shalt  }
0x71: {  	_ =	shalt  }
0x72: {  	_ =	shalt  }
0x73: {  	_ =	shalt  }
0x74: {  	_ =	shalt  }
0x75: {  	_ =	shalt  }
0x76: {  	_ =	shalt  }
0x77: {  	_ =	shalt  }
0x78: {  	_ =	shalt  }
0x79: {  	_ =	shalt  }
0x7a: {  	_ =	shalt  }
0x7b: {  	_ =	shalt  }
0x7c: {  	_ =	shalt  }
0x7d: {  	_ =	shalt  }
0x7e: {  	_ =	shalt  }
0x7f: {  	_ =	shalt  }
0x80: {  	_ =	shalt  }
0x81: {  	_ =	shalt  }
0x82: {  	_ =	shalt  }
0x83: {  	_ =	shalt  }
0x84: {  	_ =	shalt  }
0x85: {  	_ =	shalt  }
0x86: {  	_ =	shalt  }
0x87: {  	_ =	shalt  }
.Lfunc_end0:
.L_simem_size_0:
called_computation_lowered:
.L_overlay_start_0:
0x88: {  	s0 =	sld [smem:$0x3FD9]  }
0x89: {  	s1 =	sld [smem:$0x3FFE];
	_ =	sdelay $0x3  }
0x8a: {  	s0 =	sadd.s32 s1, s0  }
0x8b: {  	[smem:$0x3FBE] =	sst s0  }
0x8c: {  	_ = 	snop  }
0x8d: {  	s0 =	sld [smem:$0x3FC8];
	(tm) =	ssettm $0x1  }
0x8e: {  	s16 =	sld [smem:$0x3FFB];
	_ =	sdelay $0x3  }
0x8f: {  	_ =	strace s16  }
0x90: {  	s1 =	sld [smem:$0x3FFC];
	_ =	sdelay $0x3  }
0x91: {  	_ =	strace s1  }
0x92: {  	s1 =	sld [smem:$0x3FFD];
	_ =	sdelay $0x3  }
0x93: {  	_ =	strace s1  }
0x94: {  	_ =	strace $0x8FFFFFFF  }
0x95: {  	s17 =	sld [smem:$0x3FDB];
	_ =	sdelay $0x1  }
0x96: {  	s2 =	simm.s32 $_scs_section_size  }
0x97: {  	s3 =	simm.s32 $_size__tile_overlayer_lowered;
	s4 =	simm.s32 $_tile_overlayer_lowered  }
0x98: {  	s20 =	simm.s32 $0x1BFF;
	s19 =	sshll.u32 s4, $0x1;
	s1 =	sadd.s32 s2, s17  }
0x99: {  	s5 =	simm.s32 $0x0;
	s18 =	sshll.u32 s3, $0x1;
	s3 =	sadd.s32 s19, s1  }
0x9a: {  	[timem:s5], [sflag:s20] =	dma.local [hbm:s3], s18  }
0x9b: {  	_ =	swait.ge [sflag:s20], s18  }
0x9c: {  	s2 =	ssub.s32 $0x0, s18;
	[sflag:s20] =	ssyncset.done $0x0  }
0x9d: {  	[sflag:s20] =	ssyncadd.s32 s2;
	_ =	sdelay $0x1  }
0x9e: {  	s21 =	simm.s32 $0x1B8B  }
0x9f: {  	_ =	swait.ge [sflag:s21], $0x1  }
0xa0: {  	[sflag:s21] =	ssyncset.done $0x0  }
0xa1: {  	s23 =	simm.s32 $0x1B8E;
	s22 =	sld [smem:$0x3FFE];
	[sflag:s21] =	ssyncadd.s32 $0xFFFFFFFF  }
0xa2: {  	s24 =	simm.s32 $execute0_lowered;
	[smem:$0x3FD2] =	sst s23  }
0xa3: {  	s3 =	sshll.u32 s24, $0x1;
	_ =	strace $0x80000046;
	[dreg:$0x1] =	wrdreg $0xFFFFFFFF  }
0xa4: {  	s25 =	simm.s32 $_size_execute0_lowered;
	s1 =	sadd.s32 s1, s3;
	[dreg:$0x0] =	wrdreg $0x0  }
0xa5: {  	s3 =	sshll.u32 s25, $0x1;
	[dreg:$0x2] =	wrdreg s1  }
0xa6: {  	[dreg:$0x3] =	wrdreg s3  }
0xa7: {  	[dreg:$0x4] =	wrdreg $0xC0  }
0xa8: {  	_ =	task [dreg:s5], $0x5FFFF  }
0xa9: {  	[dreg:$0x1] =	wrdreg $0xFFFFFFFF  }
0xaa: {  	[dreg:$0x0] =	wrdreg $0x60  }
0xab: {  	[dreg:$0x2] =	wrdreg s0  }
0xac: {  	[dreg:$0x3] =	wrdreg s22  }
0xad: {  	[dreg:$0x4] =	wrdreg $0xF5800  }
0xae: {  	[dreg:$0x5] =	wrdreg $0x9  }
0xaf: {  	_ =	task.clear_ibuf [dreg:s5], $0x6FFFF;
	_ =	strace $0x90000046  }
0xb0: {  	s26 =	simm.s32 $0x9;
	_ =	strace $0x80000048  }
0xb1: {  	_ =	swait.ge [sflag:s26], $0x1  }
0xb2: {  	[sflag:s26] =	ssyncadd.s32 $0xFFFFFFFF  }
0xb3: {  	_ =	strace $0x90000048  }
0xb4: {  	_ =	sfence  }
0xb5: {  	s28 =	sld [smem:$0x0];
	_ =	sdelay $0x1  }
0xb6: {  	s29 =	srdreg.scid  }
0xb7: {  	s30 =	sshll.u32 s29, $0xD;
	s31 =	sshrl.u32 s29, $0x2  }
0xb8: {  	s2 =	sand.u32 $0x4000, s30;
	s1 =	sand.u32 $0x1, s29;
	s0 =	sadd.s32 s31, s28  }
0xb9: {  	s1 =	sor.u32 s2, s1;
	s0 =	sshll.u32 s0, $0x11  }
0xba: {  	s0 =	sor.u32 s0, s1  }
0xbb: {  	s0 =	sadd.s32 $0x8F2B, s0  }
0xbc: {  	[sflag:s0] =	ssyncadd.remote.s32 $0x1  }
0xbd: {  	_ =	sfence.sel $0xFFFF  }
0xbe: {  	[dreg:$0x0] =	wrdreg $0xFFFFFFFF;
	(pc) =	sbr.abs _section_cstart, $3  }
0xbf: {  	[dreg:$0x1] =	wrdreg $0xFFFFFFFF  }
0xc0: {  	_ =	task.clear_ibuf [dreg:s5], $0x2FFFF;
	_ =	strace $0x9FFFFFFF  }
0xc1: {  	(tm) =	ssettm $0x7FFFFFFF  }
tec
execute0_lowered:
.L_overlay_start_1:
0x0: {  	(tag) =	ssettag $0x1  }
0x1: {  	s2 =	rddreg [dreg:$0x0]  }
0x2: {  	s3 =	rddreg [dreg:$0x1]  }
0x3: {  	s1 =	rddreg [dreg:$0x2];
	s6 =	simm.s32 $0x0  }
0x4: {  	v0 =	vlaneseq.u32;
	[smem:$0x7FF] =	sst s6  }
0x5: {  	s0 =	rddreg [dreg:$0x3];
	v1 =	vor.u32 $0x10, v0;
	_ =	strace $0x80000047;
	[tilespmem:$0xF500] =	vst v0  }
0x6: {  	s5 =	stileid.u32;
	[tilespmem:$0xF510] =	vst v1;
	v1 =	vor.u32 $0x20, v0  }
0x7: {  	s4 =	smul.u32 $0x1380, s5;
	[tilespmem:$0xF520] =	vst v1;
	v1 =	vor.u32 $0x30, v0  }
0x8: {  	v0 =	vor.u32 $0x40, v0;
	[tilespmem:$0xF530] =	vst v1  }
0x9: {  	s8 =	simm.s32 $0x1;
	p1 =	sgt.u32 s5, $0x3;
	s4 =	sadd.s32 s2, s4;
	[tilespmem:$0xF540] =	vst v0  }
0xa: {  	[tilespmem:s6], [sflag:$0x1] =	stream.linear.gather [hbm4b:s4+s6], $0x9C00, $0x38;
	[tilespmem:$0xF800] =	vst v63  }
0xb: {  	s4 =	sshll.u32 @!p1 s5, $0x5;
	_ =	swait.ge [sflag:s8], $0x9C00  }
0xc: {  	s7 =	simm.s32 @!p1 $0x9C00;
	s2 =	sadd.s32 @!p1 s4, s2;
	[sflag:s8] =	ssyncset.done $0x0  }
0xd: {  	s4 =	simm.s32 @!p1 $0x0;
	s2 =	sadd.s32 @!p1 $0x13800, s2;
	[sflag:s8] =	ssyncadd.s32 $0xFFFF6400  }
0xe: {  	[tilespmem:s7], [sflag:$0x1] =	stream.linear.gather @!p1 [hbm4b:s2+s4], $0x100, $0x38;
	[tilespmem:$0xF800] =	vst v63  }
0xf: {  	s2 =	simm.s32 @!p1 $0x1  }
0x10: {  	_ =	swait.ge @!p1 [sflag:s2], $0x100  }
0x11: {  	[sflag:s2] =	ssyncset.done @!p1 $0x0  }
0x12: {  	s4 =	sadd.s32 $0x1A00, s3;
	s7 =	simm.s32 $0xC500;
	[sflag:s2] =	ssyncadd.s32 @!p1 $0xFFFFFF00  }
0x13: {  	[tilespmem:s7], [sflag:$0x1] =	stream.linear.gather [hbm4b:s4+s6], $0x2800, $0x38;
	[tilespmem:$0xF800] =	vst v63  }
0x14: {  	_ =	swait.ge [sflag:s8], $0x2800  }
0x15: {  	p0 =	sne.s32 s5, $0x0;
	[sflag:s8] =	ssyncset.done $0x0  }
0x16: {  	s2 =	sshrl.u32 @!p0 s1, $0x3;
	s6 =	simm.s32 @!p0 $0x1C01;
	[sflag:s8] =	ssyncadd.s32 $0xFFFFD800  }
0x17: {  	[spmem:s2], [sflag:s6] =	dma.local @!p0 [hbm:s4], $0x500  }
0x18: {  	s6 =	simm.s32 @!p0 $0x1  }
0x19: {  	_ =	swait.ge @!p0 [sflag:s6], $0x500  }
0x1a: {  	[sflag:s6] =	ssyncset.done @!p0 $0x0  }
0x1b: {  	[sflag:s6] =	ssyncadd.s32 @!p0 $0xFFFFFB00  }
0x1c: {  	s13 =	simm.s32 $0xF0;
	[bflag:$0x0] =	sbarrier.arrive $0xFFFF  }
0x1d: {  	v1 =	vld [tilespmem:s13+$0xFFFFFF90];
	_ =	sdelay $0x6  }
0x1e: {  	v0 =	vimm.f32 $1.000000000e+00  }
0x1f: {  	[tilespmem:v1+s7+$0x0] =	vst.idx.add.f32.msk $0xffff, v0  }
0x20: {  	v1 =	vld [tilespmem:s13+$0xFFFFFFA0];
	_ =	sdelay $0x5  }
0x21: {  	s8 =	simm.s32 $0x1F0  }
0x22: {  	v2 =	vld [tilespmem:s8+$0xFFFFFF90]  }
0x23: {  	[tilespmem:v1+s7+$0x0] =	vst.idx.add.f32.msk $0xffff, v0  }
0x24: {  	v1 =	vld [tilespmem:s13+$0xFFFFFFB0];
	_ =	sdelay $0x5  }
0x25: {  	[tilespmem:v2+s7+$0x0] =	vst.idx.add.f32.msk $0xffff, v0  }
0x26: {  	v2 =	vld [tilespmem:s8+$0xFFFFFFA0]  }
0x27: {  	[tilespmem:v1+s7+$0x0] =	vst.idx.add.f32.msk $0xffff, v0  }
0x28: {  	v1 =	vld [tilespmem:s13+$0xFFFFFFC0];
	_ =	sdelay $0x3  }
0x29: {  	s9 =	simm.s32 $0x2F0  }
0x2a: {  	v3 =	vld [tilespmem:s9+$0xFFFFFF90]  }
0x2b: {  	[tilespmem:v2+s7+$0x0] =	vst.idx.add.f32.msk $0xffff, v0  }
0x2c: {  	v2 =	vld [tilespmem:s8+$0xFFFFFFB0]  }
0x2d: {  	[tilespmem:v1+s7+$0x0] =	vst.idx.add.f32.msk $0xffff, v0  }
0x2e: {  	v1 =	vld [tilespmem:s13+$0xFFFFFFD0];
	_ =	sdelay $0x3  }
0x2f: {  	[tilespmem:v3+s7+$0x0] =	vst.idx.add.f32.msk $0xffff, v0  }
0x30: {  	v3 =	vld [tilespmem:s9+$0xFFFFFFA0]  }
0x31: {  	[tilespmem:v2+s7+$0x0] =	vst.idx.add.f32.msk $0xffff, v0  }
0x32: {  	v2 =	vld [tilespmem:s8+$0xFFFFFFC0]  }
0x33: {  	[tilespmem:v1+s7+$0x0] =	vst.idx.add.f32.msk $0xffff, v0  }
0x34: {  	v1 =	vld [tilespmem:s13+$0xFFFFFFE0];
	_ =	sdelay $0x1  }
0x35: {  	s10 =	simm.s32 $0x3F0  }
0x36: {  	v4 =	vld [tilespmem:s10+$0xFFFFFF90]  }
0x37: {  	[tilespmem:v3+s7+$0x0] =	vst.idx.add.f32.msk $0xffff, v0  }
0x38: {  	v3 =	vld [tilespmem:s9+$0xFFFFFFB0]  }
0x39: {  	[tilespmem:v2+s7+$0x0] =	vst.idx.add.f32.msk $0xffff, v0  }
0x3a: {  	v2 =	vld [tilespmem:s8+$0xFFFFFFD0]  }
0x3b: {  	[tilespmem:v1+s7+$0x0] =	vst.idx.add.f32.msk $0xffff, v0  }
0x3c: {  	v1 =	vld [tilespmem:s13+$0xFFFFFFF0];
	_ =	sdelay $0x1  }
0x3d: {  	[tilespmem:v4+s7+$0x0] =	vst.idx.add.f32.msk $0xffff, v0  }
0x3e: {  	v4 =	vld [tilespmem:s10+$0xFFFFFFA0]  }
0x3f: {  	[tilespmem:v3+s7+$0x0] =	vst.idx.add.f32.msk $0xffff, v0  }
0x40: {  	v3 =	vld [tilespmem:s9+$0xFFFFFFC0]  }
0x41: {  	s5 =	smul.u32 $0xA00, s5;
	[tilespmem:v2+s7+$0x0] =	vst.idx.add.f32.msk $0xffff, v0  }
0x42: {  	v2 =	vld [tilespmem:s8+$0xFFFFFFE0]  }
0x43: {  	s11 =	simm.s32 $0x4F0;
	s12 =	simm.s32 $0x17C0;
	s5 =	sshrl.u32 s5, $0x2;
	[tilespmem:v1+s7+$0x0] =	vst.idx.add.f32.msk $0xffff, v0  }
0x44: {  	s5 =	sadd.s32 s5, s1;
	s6 =	sadd.s32 $0x2000, s3;
	s3 =	sadd.s32 $0x2600, s3;
	v1 =	vld [tilespmem:s13+$0x0]  }
.LBB2_1:
0x45: {  	p2 =	sne.s32 s12, $0x26FC0;
	v5 =	vld [tilespmem:s11+$0xFFFFFF90];
	s13 =	smov.u32 s9;
	s9 =	smov.u32 s10  }
0x46: {  	s10 =	smov.u32 s11;
	[tilespmem:v4+s7+$0x0] =	vst.idx.add.f32.msk $0xffff, v0  }
0x47: {  	v6 =	vld [tilespmem:s9+$0xFFFFFFB0]  }
0x48: {  	[tilespmem:v3+s7+$0x0] =	vst.idx.add.f32.msk $0xffff, v0  }
0x49: {  	v7 =	vld [tilespmem:s13+$0xFFFFFFD0]  }
0x4a: {  	[tilespmem:v2+s7+$0x0] =	vst.idx.add.f32.msk $0xffff, v0  }
0x4b: {  	v8 =	vld [tilespmem:s8+$0xFFFFFFF0]  }
0x4c: {  	[tilespmem:v1+s7+$0x0] =	vst.idx.add.f32.msk $0xffff, v0  }
0x4d: {  	[tilespmem:v5+s7+$0x0] =	vst.idx.add.f32.msk $0xffff, v0  }
0x4e: {  	v4 =	vld [tilespmem:s10+$0xFFFFFFA0]  }
0x4f: {  	[tilespmem:v6+s7+$0x0] =	vst.idx.add.f32.msk $0xffff, v0  }
.Ltmp0:
0x50: {  	v3 =	vld [tilespmem:s9+$0xFFFFFFC0];
	(pc) =	sbr.rel @p2 .LBB2_1-.Ltmp0, $4  }
0x51: {  	[tilespmem:v7+s7+$0x0] =	vst.idx.add.f32.msk $0xffff, v0  }
0x52: {  	v2 =	vld [tilespmem:s13+$0xFFFFFFE0]  }
0x53: {  	[tilespmem:v8+s7+$0x0] =	vst.idx.add.f32.msk $0xffff, v0  }
0x54: {  	s11 =	sshra.s32 s12, $0x2;
	s12 =	sadd.s32 $0x400, s12;
	v1 =	vld [tilespmem:s8+$0x0];
	s8 =	smov.u32 s13  }
0x55: {  	v5 =	vld [tilespmem:s11+$0xFFFFFF90];
	_ =	sdelay $0x7  }
0x56: {  	[tilespmem:v5+s7+$0x0] =	vst.idx.add.f32.msk $0xffff, v0  }
0x57: {  	v5 =	vld [tilespmem:s11+$0xFFFFFFA0];
	_ =	sdelay $0x5  }
0x58: {  	[tilespmem:v4+s7+$0x0] =	vst.idx.add.f32.msk $0xffff, v0  }
0x59: {  	v4 =	vld [tilespmem:s10+$0xFFFFFFB0]  }
0x5a: {  	[tilespmem:v5+s7+$0x0] =	vst.idx.add.f32.msk $0xffff, v0  }
0x5b: {  	v5 =	vld [tilespmem:s11+$0xFFFFFFB0];
	_ =	sdelay $0x5  }
0x5c: {  	[tilespmem:v4+s7+$0x0] =	vst.idx.add.f32.msk $0xffff, v0  }
0x5d: {  	v4 =	vld [tilespmem:s10+$0xFFFFFFC0]  }
0x5e: {  	[tilespmem:v5+s7+$0x0] =	vst.idx.add.f32.msk $0xffff, v0  }
0x5f: {  	v5 =	vld [tilespmem:s11+$0xFFFFFFC0];
	_ =	sdelay $0x3  }
0x60: {  	[tilespmem:v3+s7+$0x0] =	vst.idx.add.f32.msk $0xffff, v0  }
0x61: {  	v3 =	vld [tilespmem:s9+$0xFFFFFFD0]  }
0x62: {  	[tilespmem:v4+s7+$0x0] =	vst.idx.add.f32.msk $0xffff, v0  }
0x63: {  	v4 =	vld [tilespmem:s10+$0xFFFFFFD0]  }
0x64: {  	[tilespmem:v5+s7+$0x0] =	vst.idx.add.f32.msk $0xffff, v0  }
0x65: {  	v5 =	vld [tilespmem:s11+$0xFFFFFFD0];
	_ =	sdelay $0x3  }
0x66: {  	[tilespmem:v3+s7+$0x0] =	vst.idx.add.f32.msk $0xffff, v0  }
0x67: {  	v3 =	vld [tilespmem:s9+$0xFFFFFFE0]  }
0x68: {  	[tilespmem:v4+s7+$0x0] =	vst.idx.add.f32.msk $0xffff, v0  }
0x69: {  	v4 =	vld [tilespmem:s10+$0xFFFFFFE0]  }
0x6a: {  	[tilespmem:v5+s7+$0x0] =	vst.idx.add.f32.msk $0xffff, v0  }
0x6b: {  	v5 =	vld [tilespmem:s11+$0xFFFFFFE0];
	_ =	sdelay $0x1  }
0x6c: {  	[tilespmem:v2+s7+$0x0] =	vst.idx.add.f32.msk $0xffff, v0  }
0x6d: {  	v2 =	vld [tilespmem:s8+$0xFFFFFFF0]  }
0x6e: {  	[tilespmem:v3+s7+$0x0] =	vst.idx.add.f32.msk $0xffff, v0  }
0x6f: {  	v3 =	vld [tilespmem:s9+$0xFFFFFFF0]  }
0x70: {  	[tilespmem:v4+s7+$0x0] =	vst.idx.add.f32.msk $0xffff, v0  }
0x71: {  	v4 =	vld [tilespmem:s10+$0xFFFFFFF0]  }
0x72: {  	[tilespmem:v5+s7+$0x0] =	vst.idx.add.f32.msk $0xffff, v0  }
0x73: {  	v5 =	vld [tilespmem:s11+$0xFFFFFFF0];
	_ =	sdelay $0x1  }
0x74: {  	[tilespmem:v2+s7+$0x0] =	vst.idx.add.f32.msk $0xffff, v0  }
0x75: {  	v2 =	vld [tilespmem:s8+$0x0]  }
0x76: {  	[tilespmem:v3+s7+$0x0] =	vst.idx.add.f32.msk $0xffff, v0  }
0x77: {  	v3 =	vld [tilespmem:s9+$0x0]  }
0x78: {  	[tilespmem:v4+s7+$0x0] =	vst.idx.add.f32.msk $0xffff, v0  }
0x79: {  	v4 =	vld [tilespmem:s10+$0x0]  }
0x7a: {  	[tilespmem:v5+s7+$0x0] =	vst.idx.add.f32.msk $0xffff, v0  }
0x7b: {  	v5 =	vld [tilespmem:s11+$0x0];
	_ =	sdelay $0x3  }
0x7c: {  	[tilespmem:v1+s7+$0x0] =	vst.idx.add.f32.msk $0xffff, v0  }
0x7d: {  	[tilespmem:v2+s7+$0x0] =	vst.idx.add.f32.msk $0xffff, v0  }
0x7e: {  	[tilespmem:v3+s7+$0x0] =	vst.idx.add.f32.msk $0xffff, v0  }
0x7f: {  	[tilespmem:v4+s7+$0x0] =	vst.idx.add.f32.msk $0xffff, v0  }
0x80: {  	[tilespmem:v5+s7+$0x0] =	vst.idx.add.f32.msk $0xffff, v0  }
0x81: {  	v0 =	vld @!p1 [tilespmem:$0x9C80];
	_ =	sdelay $0x6  }
0x82: {  	v1 =	vimm.f32 @!p1 $1.000000000e+00;
	s7 =	simm.s32 @!p1 $0xC500  }
0x83: {  	[tilespmem:v0+s7+$0x0] =	vst.idx.add.f32.msk @!p1 $0xffff, v1  }
0x84: {  	v0 =	vld @!p1 [tilespmem:$0x9C90];
	_ =	sdelay $0x7  }
0x85: {  	[tilespmem:v0+s7+$0x0] =	vst.idx.add.f32.msk @!p1 $0xffff, v1  }
0x86: {  	v0 =	vld @!p1 [tilespmem:$0x9CA0];
	_ =	sdelay $0x7  }
0x87: {  	[tilespmem:v0+s7+$0x0] =	vst.idx.add.f32.msk @!p1 $0xffff, v1  }
0x88: {  	v0 =	vld @!p1 [tilespmem:$0x9CB0];
	_ =	sdelay $0x7  }
0x89: {  	[tilespmem:v0+s7+$0x0] =	vst.idx.add.f32.msk @!p1 $0xffff, v1  }
0x8a: {  	v0 =	vld @!p1 [tilespmem:$0x9CC0];
	_ =	sdelay $0x7  }
0x8b: {  	[tilespmem:v0+s7+$0x0] =	vst.idx.add.f32.msk @!p1 $0xffff, v1  }
0x8c: {  	v0 =	vld @!p1 [tilespmem:$0x9CD0];
	_ =	sdelay $0x7  }
0x8d: {  	[tilespmem:v0+s7+$0x0] =	vst.idx.add.f32.msk @!p1 $0xffff, v1  }
0x8e: {  	v0 =	vld @!p1 [tilespmem:$0x9CE0];
	_ =	sdelay $0x7  }
0x8f: {  	[tilespmem:v0+s7+$0x0] =	vst.idx.add.f32.msk @!p1 $0xffff, v1  }
0x90: {  	v0 =	vld @!p1 [tilespmem:$0x9CF0];
	_ =	sdelay $0x6  }
0x91: {  	s26 =	simm.s32 $0x50  }
0x92: {  	s28 =	simm.s32 $0xF500;
	s29 =	simm.s32 $0xC500;
	s30 =	simm.s32 $0x1;
	[tilespmem:v0+s7+$0x0] =	vst.idx.add.f32.msk @!p1 $0xffff, v1  }
0x93: {  	[spmem:s1] =	stream.indirect.scatter.add.f32 [tilespmem:s29], [sflag:$0x1], $0x80, s28, s26, $0xb8;
	[tilespmem:$0xF800] =	vst v63  }
0x94: {  	_ =	swait.ge [sflag:s30], $0x2800  }
0x95: {  	[sflag:s30] =	ssyncset.done $0x0  }
0x96: {  	[sflag:s30] =	ssyncadd.s32 $0xFFFFD800  }
0x97: {  	s31 =	simm.s32 $0xED00;
	[bflag:$0x0] =	sbarrier.arrive $0xFFFF  }
0x98: {  	[tilespmem:s31], [sflag:$0x1] =	stream.linear.gather [spmem:s5], $0x280, $0x38;
	[tilespmem:$0xF800] =	vst v63  }
0x99: {  	_ =	swait.ge [sflag:s30], $0x280  }
0x9a: {  	[sflag:s30] =	ssyncset.done $0x0  }
0x9b: {  	s7 =	simm.s32 $0x0;
	[sflag:s30] =	ssyncadd.s32 $0xFFFFFD80  }
0x9c: {  	v0 =	vld [tilespmem:s7+$0xED00];
	_ =	sdelay $0x4  }
0x9d: {  	v0 =	vmax.f32 v0, $1.000000000e+00  }
0x9e: {  	(erf) = vrcp.f32 v0;
	_ =	sdelay $0x8  }
0x9f: {  	v0 =	vpop (erf)  }
0xa0: {  	s8 =	simm.s32 $0x80;
	s9 =	simm.s32 $0x10;
	[tilespmem:s7+$0xED00] =	vst v0  }
.LBB2_3:
0xa1: {  	p2 =	sne.s32 s8, $0x9C0;
	v1 =	vld [tilespmem:s9+$0xED00];
	[tilespmem:s7+$0xF100] =	vst v0;
	s7 =	smov.u32 s9;
	_ =	sdelay $0x4  }
0xa2: {  	v0 =	vmax.f32 v1, $1.000000000e+00  }
0xa3: {  	(erf) = vrcp.f32 v0;
	_ =	sdelay $0x5  }
.Ltmp1:
0xa4: {  	(pc) =	sbr.rel @p2 .LBB2_3-.Ltmp1, $3  }
0xa5: {  	_ =	sdelay $0x1  }
0xa6: {  	v0 =	vpop (erf)  }
0xa7: {  	s9 =	sshra.s32 s8, $0x2;
	s8 =	sadd.s32 $0x40, s8;
	[tilespmem:s7+$0xED00] =	vst v0  }
0xa8: {  	v1 =	vld [tilespmem:s9+$0xED00];
	_ =	sdelay $0x4  }
0xa9: {  	v1 =	vmax.f32 v1, $1.000000000e+00  }
0xaa: {  	(erf) = vrcp.f32 v1;
	_ =	sdelay $0x8  }
0xab: {  	[tilespmem:s7+$0xF100] =	vst v0;
	v0 =	vpop (erf)  }
0xac: {  	[tilespmem:s9+$0xED00] =	vst v0  }
0xad: {  	s29 =	simm.s32 $0xED00;
	s30 =	simm.s32 $0x1;
	[tilespmem:s9+$0xF100] =	vst v0  }
0xae: {  	[spmem:s5] =	stream.linear.scatter [tilespmem:s29], [sflag:$0x1], $0x280, $0x38;
	[tilespmem:$0xF800] =	vst v63  }
0xaf: {  	_ =	swait.ge [sflag:s30], $0x280  }
0xb0: {  	[sflag:s30] =	ssyncset.done $0x0  }
0xb1: {  	[sflag:s30] =	ssyncadd.s32 $0xFFFFFD80  }
0xb2: {  	s8 =	simm.s32 $0x9D00;
	[bflag:$0x0] =	sbarrier.arrive $0xFFFF  }
0xb3: {  	[tilespmem:s8], [sflag:$0x1] =	stream.linear.gather [spmem:s1], $0x2800, $0x38;
	[tilespmem:$0xF800] =	vst v63  }
0xb4: {  	_ =	swait.ge [sflag:s30], $0x2800  }
0xb5: {  	[sflag:s30] =	ssyncset.done $0x0  }
0xb6: {  	s10 =	simm.s32 $0x0;
	s7 =	simm.s32 $0xC500;
	[sflag:s30] =	ssyncadd.s32 $0xFFFFD800  }
0xb7: {  	[tilespmem:s7], [sflag:$0x1] =	stream.linear.gather [hbm4b:s4+s10], $0x2800, $0x38;
	[tilespmem:$0xF800] =	vst v63  }
0xb8: {  	_ =	swait.ge [sflag:s30], $0x2800  }
0xb9: {  	[sflag:s30] =	ssyncset.done $0x0  }
0xba: {  	[sflag:s30] =	ssyncadd.s32 $0xFFFFD800  }
0xbb: {  	s9 =	simm.s32 @!p0 $0x1C01;
	[bflag:$0x0] =	sbarrier.arrive $0xFFFF  }
0xbc: {  	[spmem:s2], [sflag:s9] =	dma.local @!p0 [hbm:s4], $0x500  }
0xbd: {  	s9 =	simm.s32 @!p0 $0x1  }
0xbe: {  	_ =	swait.ge @!p0 [sflag:s9], $0x500  }
0xbf: {  	[sflag:s9] =	ssyncset.done @!p0 $0x0  }
0xc0: {  	[sflag:s9] =	ssyncadd.s32 @!p0 $0xFFFFFB00  }
0xc1: {  	s31 =	simm.s32 $0xF0;
	[bflag:$0x0] =	sbarrier.arrive $0xFFFF  }
0xc2: {  	v1 =	vld [tilespmem:s31+$0xFFFFFF10]  }
0xc3: {  	v2 =	vld [tilespmem:s31+$0xFFFFFF20]  }
0xc4: {  	v3 =	vld [tilespmem:s31+$0xFFFFFF30]  }
0xc5: {  	v4 =	vld [tilespmem:s31+$0xFFFFFF40]  }
0xc6: {  	v5 =	vld [tilespmem:s31+$0xFFFFFF50]  }
0xc7: {  	v6 =	vld [tilespmem:s31+$0xFFFFFF60]  }
0xc8: {  	v7 =	vld [tilespmem:s31+$0xFFFFFF70]  }
0xc9: {  	v0 =	vld [tilespmem:s31+$0xFFFFFF80]  }
0xca: {  	v15 =	vld [tilespmem:s31+$0xFFFFFF90]  }
0xcb: {  	v8 =	vld [tilespmem:s31+$0xFFFFFFA0]  }
0xcc: {  	v9 =	vld [tilespmem:s31+$0xFFFFFFB0]  }
0xcd: {  	v10 =	vld [tilespmem:s31+$0xFFFFFFC0]  }
0xce: {  	v11 =	vld [tilespmem:s31+$0xFFFFFFD0]  }
0xcf: {  	v12 =	vld [tilespmem:s31+$0xFFFFFFE0]  }
0xd0: {  	v13 =	vld [tilespmem:s31+$0xFFFFFFF0]  }
0xd1: {  	v14 =	vld [tilespmem:s31+$0x0]  }
0xd2: {  	s9 =	simm.s32 $0x7C0;
	v15 =	vld.idx.msk [tilespmem:v15+s8+$0x0], $0xffff  }
.LBB2_5:
0xd3: {  	p2 =	sne.s32 s9, $0x26FC0;
	v8 =	vld.idx.msk [tilespmem:v8+s8+$0x0], $0xffff  }
0xd4: {  	v9 =	vld.idx.msk [tilespmem:v9+s8+$0x0], $0xffff  }
0xd5: {  	v10 =	vld.idx.msk [tilespmem:v10+s8+$0x0], $0xffff  }
0xd6: {  	v11 =	vld.idx.msk [tilespmem:v11+s8+$0x0], $0xffff  }
0xd7: {  	v12 =	vld.idx.msk [tilespmem:v12+s8+$0x0], $0xffff  }
0xd8: {  	v13 =	vld.idx.msk [tilespmem:v13+s8+$0x0], $0xffff  }
0xd9: {  	v14 =	vld.idx.msk [tilespmem:v14+s8+$0x0], $0xffff  }
0xda: {  	[tilespmem:v1+s7+$0x0] =	vst.idx.add.f32.msk $0xffff, v15  }
0xdb: {  	[tilespmem:v2+s7+$0x0] =	vst.idx.add.f32.msk $0xffff, v8  }
0xdc: {  	[tilespmem:v3+s7+$0x0] =	vst.idx.add.f32.msk $0xffff, v9  }
0xdd: {  	[tilespmem:v4+s7+$0x0] =	vst.idx.add.f32.msk $0xffff, v10  }
0xde: {  	[tilespmem:v5+s7+$0x0] =	vst.idx.add.f32.msk $0xffff, v11  }
0xdf: {  	[tilespmem:v6+s7+$0x0] =	vst.idx.add.f32.msk $0xffff, v12  }
0xe0: {  	[tilespmem:v7+s7+$0x0] =	vst.idx.add.f32.msk $0xffff, v13  }
0xe1: {  	s10 =	sshra.s32 s9, $0x2;
	[tilespmem:v0+s7+$0x0] =	vst.idx.add.f32.msk $0xffff, v14  }
0xe2: {  	v1 =	vld [tilespmem:s10+$0xFFFFFF10]  }
0xe3: {  	v2 =	vld [tilespmem:s10+$0xFFFFFF20]  }
0xe4: {  	v3 =	vld [tilespmem:s10+$0xFFFFFF30]  }
0xe5: {  	v4 =	vld [tilespmem:s10+$0xFFFFFF40]  }
0xe6: {  	v5 =	vld [tilespmem:s10+$0xFFFFFF50]  }
0xe7: {  	v6 =	vld [tilespmem:s10+$0xFFFFFF60]  }
0xe8: {  	v7 =	vld [tilespmem:s10+$0xFFFFFF70]  }
0xe9: {  	v0 =	vld [tilespmem:s10+$0xFFFFFF80]  }
0xea: {  	v15 =	vld [tilespmem:s10+$0xFFFFFF90]  }
0xeb: {  	v8 =	vld [tilespmem:s10+$0xFFFFFFA0]  }
0xec: {  	v9 =	vld [tilespmem:s10+$0xFFFFFFB0]  }
0xed: {  	v10 =	vld [tilespmem:s10+$0xFFFFFFC0]  }
.Ltmp2:
0xee: {  	v11 =	vld [tilespmem:s10+$0xFFFFFFD0];
	(pc) =	sbr.rel @p2 .LBB2_5-.Ltmp2, $4  }
0xef: {  	v12 =	vld [tilespmem:s10+$0xFFFFFFE0]  }
0xf0: {  	v13 =	vld [tilespmem:s10+$0xFFFFFFF0]  }
0xf1: {  	v14 =	vld [tilespmem:s10+$0x0]  }
0xf2: {  	s9 =	sadd.s32 $0x400, s9;
	v15 =	vld.idx.msk [tilespmem:v15+s8+$0x0], $0xffff  }
0xf3: {  	_ =	sdelay $0x3  }
0xf4: {  	v8 =	vld.idx.msk [tilespmem:v8+s8+$0x0], $0xffff  }
0xf5: {  	v9 =	vld.idx.msk [tilespmem:v9+s8+$0x0], $0xffff  }
0xf6: {  	v10 =	vld.idx.msk [tilespmem:v10+s8+$0x0], $0xffff  }
0xf7: {  	v11 =	vld.idx.msk [tilespmem:v11+s8+$0x0], $0xffff  }
0xf8: {  	v12 =	vld.idx.msk [tilespmem:v12+s8+$0x0], $0xffff  }
0xf9: {  	v13 =	vld.idx.msk [tilespmem:v13+s8+$0x0], $0xffff  }
0xfa: {  	v14 =	vld.idx.msk [tilespmem:v14+s8+$0x0], $0xffff  }
0xfb: {  	[tilespmem:v1+s7+$0x0] =	vst.idx.add.f32.msk $0xffff, v15  }
0xfc: {  	[tilespmem:v2+s7+$0x0] =	vst.idx.add.f32.msk $0xffff, v8  }
0xfd: {  	[tilespmem:v3+s7+$0x0] =	vst.idx.add.f32.msk $0xffff, v9  }
0xfe: {  	[tilespmem:v4+s7+$0x0] =	vst.idx.add.f32.msk $0xffff, v10  }
0xff: {  	[tilespmem:v5+s7+$0x0] =	vst.idx.add.f32.msk $0xffff, v11  }
0x100: {  	[tilespmem:v6+s7+$0x0] =	vst.idx.add.f32.msk $0xffff, v12  }
0x101: {  	[tilespmem:v7+s7+$0x0] =	vst.idx.add.f32.msk $0xffff, v13  }
0x102: {  	[tilespmem:v0+s7+$0x0] =	vst.idx.add.f32.msk $0xffff, v14  }
0x103: {  	v0 =	vld @!p1 [tilespmem:$0x9C80];
	_ =	sdelay $0x4  }
0x104: {  	v1 =	vld @!p1 [tilespmem:$0x9C00];
	_ =	sdelay $0x1  }
0x105: {  	s7 =	simm.s32 @!p1 $0x9D00  }
0x106: {  	v0 =	vld.idx.msk @!p1 [tilespmem:v0+s7+$0x0], $0xffff;
	_ =	sdelay $0x3  }
0x107: {  	s8 =	simm.s32 @!p1 $0xC500  }
0x108: {  	[tilespmem:v1+s8+$0x0] =	vst.idx.add.f32.msk @!p1 $0xffff, v0  }
0x109: {  	v0 =	vld @!p1 [tilespmem:$0x9C90];
	_ =	sdelay $0x4  }
0x10a: {  	v1 =	vld @!p1 [tilespmem:$0x9C10];
	_ =	sdelay $0x2  }
0x10b: {  	v0 =	vld.idx.msk @!p1 [tilespmem:v0+s7+$0x0], $0xffff;
	_ =	sdelay $0x4  }
0x10c: {  	[tilespmem:v1+s8+$0x0] =	vst.idx.add.f32.msk @!p1 $0xffff, v0  }
0x10d: {  	v0 =	vld @!p1 [tilespmem:$0x9CA0];
	_ =	sdelay $0x4  }
0x10e: {  	v1 =	vld @!p1 [tilespmem:$0x9C20];
	_ =	sdelay $0x2  }
0x10f: {  	v0 =	vld.idx.msk @!p1 [tilespmem:v0+s7+$0x0], $0xffff;
	_ =	sdelay $0x4  }
0x110: {  	[tilespmem:v1+s8+$0x0] =	vst.idx.add.f32.msk @!p1 $0xffff, v0  }
0x111: {  	v0 =	vld @!p1 [tilespmem:$0x9CB0];
	_ =	sdelay $0x4  }
0x112: {  	v1 =	vld @!p1 [tilespmem:$0x9C30];
	_ =	sdelay $0x2  }
0x113: {  	v0 =	vld.idx.msk @!p1 [tilespmem:v0+s7+$0x0], $0xffff;
	_ =	sdelay $0x4  }
0x114: {  	[tilespmem:v1+s8+$0x0] =	vst.idx.add.f32.msk @!p1 $0xffff, v0  }
0x115: {  	v0 =	vld @!p1 [tilespmem:$0x9CC0];
	_ =	sdelay $0x4  }
0x116: {  	v1 =	vld @!p1 [tilespmem:$0x9C40];
	_ =	sdelay $0x2  }
0x117: {  	v0 =	vld.idx.msk @!p1 [tilespmem:v0+s7+$0x0], $0xffff;
	_ =	sdelay $0x4  }
0x118: {  	[tilespmem:v1+s8+$0x0] =	vst.idx.add.f32.msk @!p1 $0xffff, v0  }
0x119: {  	v0 =	vld @!p1 [tilespmem:$0x9CD0];
	_ =	sdelay $0x4  }
0x11a: {  	v1 =	vld @!p1 [tilespmem:$0x9C50];
	_ =	sdelay $0x2  }
0x11b: {  	v0 =	vld.idx.msk @!p1 [tilespmem:v0+s7+$0x0], $0xffff;
	_ =	sdelay $0x4  }
0x11c: {  	[tilespmem:v1+s8+$0x0] =	vst.idx.add.f32.msk @!p1 $0xffff, v0  }
0x11d: {  	v0 =	vld @!p1 [tilespmem:$0x9CE0];
	_ =	sdelay $0x4  }
0x11e: {  	v1 =	vld @!p1 [tilespmem:$0x9C60];
	_ =	sdelay $0x2  }
0x11f: {  	v0 =	vld.idx.msk @!p1 [tilespmem:v0+s7+$0x0], $0xffff;
	_ =	sdelay $0x4  }
0x120: {  	[tilespmem:v1+s8+$0x0] =	vst.idx.add.f32.msk @!p1 $0xffff, v0  }
0x121: {  	v0 =	vld @!p1 [tilespmem:$0x9CF0];
	_ =	sdelay $0x4  }
0x122: {  	v1 =	vld @!p1 [tilespmem:$0x9C70];
	_ =	sdelay $0x2  }
0x123: {  	v0 =	vld.idx.msk @!p1 [tilespmem:v0+s7+$0x0], $0xffff;
	_ =	sdelay $0x3  }
0x124: {  	s28 =	simm.s32 $0x50  }
0x125: {  	s29 =	simm.s32 $0xF500;
	s9 =	simm.s32 $0xC500;
	s30 =	simm.s32 $0x1;
	[tilespmem:v1+s8+$0x0] =	vst.idx.add.f32.msk @!p1 $0xffff, v0  }
0x126: {  	[spmem:s1] =	stream.indirect.scatter.add.f32 [tilespmem:s9], [sflag:$0x1], $0x80, s29, s28, $0xb8;
	[tilespmem:$0xF800] =	vst v63  }
0x127: {  	_ =	swait.ge [sflag:s30], $0x2800  }
0x128: {  	[sflag:s30] =	ssyncset.done $0x0  }
0x129: {  	[sflag:s30] =	ssyncadd.s32 $0xFFFFD800  }
0x12a: {  	s8 =	simm.s32 @!p0 $0x1C01;
	[bflag:$0x0] =	sbarrier.arrive $0xFFFF  }
0x12b: {  	[hbm:s6], [sflag:s8] =	dma.local @!p0 [spmem:s2], $0x500  }
0x12c: {  	s6 =	simm.s32 @!p0 $0x1  }
0x12d: {  	_ =	swait.ge @!p0 [sflag:s6], $0x500  }
0x12e: {  	[sflag:s6] =	ssyncset.done @!p0 $0x0  }
0x12f: {  	s31 =	simm.s32 $0xED00;
	[sflag:s6] =	ssyncadd.s32 @!p0 $0xFFFFFB00  }
0x130: {  	[tilespmem:s31], [sflag:$0x1] =	stream.linear.gather [spmem:s5], $0x280, $0x38;
	[tilespmem:$0xF800] =	vst v63  }
0x131: {  	_ =	swait.ge [sflag:s30], $0x280  }
0x132: {  	[sflag:s30] =	ssyncset.done $0x0  }
0x133: {  	s6 =	simm.s32 $0x0;
	[sflag:s30] =	ssyncadd.s32 $0xFFFFFD80  }
0x134: {  	s7 =	simm.s32 $0x40;
	v0 =	vld [tilespmem:s6+$0xF100]  }
.LBB2_7:
0x135: {  	p2 =	sne.s32 s7, $0x9C0;
	v1 =	vld [tilespmem:s6+$0xED00];
	_ =	sdelay $0x2  }
.Ltmp3:
0x136: {  	(pc) =	sbr.rel @p2 .LBB2_7-.Ltmp3, $4  }
0x137: {  	_ = 	snop  }
0x138: {  	v1 =	vmul.f32 v0, v1  }
0x139: {  	s8 =	sshra.s32 s7, $0x2  }
0x13a: {  	s7 =	sadd.s32 $0x40, s7;
	v0 =	vld [tilespmem:s8+$0xF100];
	[tilespmem:s6+$0xED00] =	vst v1;
	s6 =	smov.u32 s8  }
0x13b: {  	v1 =	vld [tilespmem:s6+$0xED00];
	_ =	sdelay $0x4  }
0x13c: {  	v0 =	vmul.f32 v0, v1;
	_ =	sdelay $0x1  }
0x13d: {  	[tilespmem:s6+$0xED00] =	vst v0  }
0x13e: {  	s30 =	simm.s32 $0xED00;
	s7 =	simm.s32 $0x1;
	[bflag:$0x0] =	sbarrier.arrive $0xFFFF  }
0x13f: {  	[spmem:s5] =	stream.linear.scatter [tilespmem:s30], [sflag:$0x1], $0x280, $0x38;
	[tilespmem:$0xF800] =	vst v63  }
0x140: {  	_ =	swait.ge [sflag:s7], $0x280  }
0x141: {  	[sflag:s7] =	ssyncset.done $0x0  }
0x142: {  	[sflag:s7] =	ssyncadd.s32 $0xFFFFFD80  }
0x143: {  	s6 =	simm.s32 $0x9D00;
	[bflag:$0x0] =	sbarrier.arrive $0xFFFF  }
0x144: {  	[tilespmem:s6], [sflag:$0x1] =	stream.linear.gather [spmem:s1], $0x2800, $0x38;
	[tilespmem:$0xF800] =	vst v63  }
0x145: {  	_ =	swait.ge [sflag:s7], $0x2800  }
0x146: {  	[sflag:s7] =	ssyncset.done $0x0  }
0x147: {  	s8 =	simm.s32 $0x0;
	s5 =	simm.s32 $0xC500;
	[sflag:s7] =	ssyncadd.s32 $0xFFFFD800  }
0x148: {  	[tilespmem:s5], [sflag:$0x1] =	stream.linear.gather [hbm4b:s4+s8], $0x2800, $0x38;
	[tilespmem:$0xF800] =	vst v63  }
0x149: {  	_ =	swait.ge [sflag:s7], $0x2800  }
0x14a: {  	[sflag:s7] =	ssyncset.done $0x0  }
0x14b: {  	[sflag:s7] =	ssyncadd.s32 $0xFFFFD800  }
0x14c: {  	s7 =	simm.s32 @!p0 $0x1C01;
	[bflag:$0x0] =	sbarrier.arrive $0xFFFF  }
0x14d: {  	[spmem:s2], [sflag:s7] =	dma.local @!p0 [hbm:s4], $0x500  }
0x14e: {  	s4 =	simm.s32 @!p0 $0x1  }
0x14f: {  	_ =	swait.ge @!p0 [sflag:s4], $0x500  }
0x150: {  	[sflag:s4] =	ssyncset.done @!p0 $0x0  }
0x151: {  	[sflag:s4] =	ssyncadd.s32 @!p0 $0xFFFFFB00  }
0x152: {  	s31 =	simm.s32 $0xF0;
	[bflag:$0x0] =	sbarrier.arrive $0xFFFF  }
0x153: {  	v1 =	vld [tilespmem:s31+$0xFFFFFF10]  }
0x154: {  	v2 =	vld [tilespmem:s31+$0xFFFFFF20]  }
0x155: {  	v3 =	vld [tilespmem:s31+$0xFFFFFF30]  }
0x156: {  	v4 =	vld [tilespmem:s31+$0xFFFFFF40]  }
0x157: {  	v5 =	vld [tilespmem:s31+$0xFFFFFF50]  }
0x158: {  	v6 =	vld [tilespmem:s31+$0xFFFFFF60]  }
0x159: {  	v7 =	vld [tilespmem:s31+$0xFFFFFF70]  }
0x15a: {  	v0 =	vld [tilespmem:s31+$0xFFFFFF80]  }
0x15b: {  	v15 =	vld [tilespmem:s31+$0xFFFFFF90]  }
0x15c: {  	v8 =	vld [tilespmem:s31+$0xFFFFFFA0]  }
0x15d: {  	v9 =	vld [tilespmem:s31+$0xFFFFFFB0]  }
0x15e: {  	v10 =	vld [tilespmem:s31+$0xFFFFFFC0]  }
0x15f: {  	v11 =	vld [tilespmem:s31+$0xFFFFFFD0]  }
0x160: {  	v12 =	vld [tilespmem:s31+$0xFFFFFFE0]  }
0x161: {  	v13 =	vld [tilespmem:s31+$0xFFFFFFF0]  }
0x162: {  	v14 =	vld [tilespmem:s31+$0x0]  }
0x163: {  	s4 =	simm.s32 $0x7C0;
	v15 =	vld.idx.msk [tilespmem:v15+s6+$0x0], $0xffff  }
.LBB2_9:
0x164: {  	p2 =	sne.s32 s4, $0x26FC0;
	v8 =	vld.idx.msk [tilespmem:v8+s6+$0x0], $0xffff  }
0x165: {  	v9 =	vld.idx.msk [tilespmem:v9+s6+$0x0], $0xffff  }
0x166: {  	v10 =	vld.idx.msk [tilespmem:v10+s6+$0x0], $0xffff  }
0x167: {  	v11 =	vld.idx.msk [tilespmem:v11+s6+$0x0], $0xffff  }
0x168: {  	v12 =	vld.idx.msk [tilespmem:v12+s6+$0x0], $0xffff  }
0x169: {  	v13 =	vld.idx.msk [tilespmem:v13+s6+$0x0], $0xffff  }
0x16a: {  	v14 =	vld.idx.msk [tilespmem:v14+s6+$0x0], $0xffff  }
0x16b: {  	[tilespmem:v1+s5+$0x0] =	vst.idx.add.f32.msk $0xffff, v15  }
0x16c: {  	[tilespmem:v2+s5+$0x0] =	vst.idx.add.f32.msk $0xffff, v8  }
0x16d: {  	[tilespmem:v3+s5+$0x0] =	vst.idx.add.f32.msk $0xffff, v9  }
0x16e: {  	[tilespmem:v4+s5+$0x0] =	vst.idx.add.f32.msk $0xffff, v10  }
0x16f: {  	[tilespmem:v5+s5+$0x0] =	vst.idx.add.f32.msk $0xffff, v11  }
0x170: {  	[tilespmem:v6+s5+$0x0] =	vst.idx.add.f32.msk $0xffff, v12  }
0x171: {  	[tilespmem:v7+s5+$0x0] =	vst.idx.add.f32.msk $0xffff, v13  }
0x172: {  	s7 =	sshra.s32 s4, $0x2;
	[tilespmem:v0+s5+$0x0] =	vst.idx.add.f32.msk $0xffff, v14  }
0x173: {  	v1 =	vld [tilespmem:s7+$0xFFFFFF10]  }
0x174: {  	v2 =	vld [tilespmem:s7+$0xFFFFFF20]  }
0x175: {  	v3 =	vld [tilespmem:s7+$0xFFFFFF30]  }
0x176: {  	v4 =	vld [tilespmem:s7+$0xFFFFFF40]  }
0x177: {  	v5 =	vld [tilespmem:s7+$0xFFFFFF50]  }
0x178: {  	v6 =	vld [tilespmem:s7+$0xFFFFFF60]  }
0x179: {  	v7 =	vld [tilespmem:s7+$0xFFFFFF70]  }
0x17a: {  	v0 =	vld [tilespmem:s7+$0xFFFFFF80]  }
0x17b: {  	v15 =	vld [tilespmem:s7+$0xFFFFFF90]  }
0x17c: {  	v8 =	vld [tilespmem:s7+$0xFFFFFFA0]  }
0x17d: {  	v9 =	vld [tilespmem:s7+$0xFFFFFFB0]  }
0x17e: {  	v10 =	vld [tilespmem:s7+$0xFFFFFFC0]  }
.Ltmp4:
0x17f: {  	v11 =	vld [tilespmem:s7+$0xFFFFFFD0];
	(pc) =	sbr.rel @p2 .LBB2_9-.Ltmp4, $4  }
0x180: {  	v12 =	vld [tilespmem:s7+$0xFFFFFFE0]  }
0x181: {  	v13 =	vld [tilespmem:s7+$0xFFFFFFF0]  }
0x182: {  	v14 =	vld [tilespmem:s7+$0x0]  }
0x183: {  	s4 =	sadd.s32 $0x400, s4;
	v15 =	vld.idx.msk [tilespmem:v15+s6+$0x0], $0xffff  }
0x184: {  	_ =	sdelay $0x3  }
0x185: {  	v8 =	vld.idx.msk [tilespmem:v8+s6+$0x0], $0xffff  }
0x186: {  	v9 =	vld.idx.msk [tilespmem:v9+s6+$0x0], $0xffff  }
0x187: {  	v10 =	vld.idx.msk [tilespmem:v10+s6+$0x0], $0xffff  }
0x188: {  	v11 =	vld.idx.msk [tilespmem:v11+s6+$0x0], $0xffff  }
0x189: {  	v12 =	vld.idx.msk [tilespmem:v12+s6+$0x0], $0xffff  }
0x18a: {  	v13 =	vld.idx.msk [tilespmem:v13+s6+$0x0], $0xffff  }
0x18b: {  	v14 =	vld.idx.msk [tilespmem:v14+s6+$0x0], $0xffff  }
0x18c: {  	[tilespmem:v1+s5+$0x0] =	vst.idx.add.f32.msk $0xffff, v15  }
0x18d: {  	[tilespmem:v2+s5+$0x0] =	vst.idx.add.f32.msk $0xffff, v8  }
0x18e: {  	[tilespmem:v3+s5+$0x0] =	vst.idx.add.f32.msk $0xffff, v9  }
0x18f: {  	[tilespmem:v4+s5+$0x0] =	vst.idx.add.f32.msk $0xffff, v10  }
0x190: {  	[tilespmem:v5+s5+$0x0] =	vst.idx.add.f32.msk $0xffff, v11  }
0x191: {  	[tilespmem:v6+s5+$0x0] =	vst.idx.add.f32.msk $0xffff, v12  }
0x192: {  	[tilespmem:v7+s5+$0x0] =	vst.idx.add.f32.msk $0xffff, v13  }
0x193: {  	[tilespmem:v0+s5+$0x0] =	vst.idx.add.f32.msk $0xffff, v14  }
0x194: {  	v0 =	vld @!p1 [tilespmem:$0x9C80];
	_ =	sdelay $0x4  }
0x195: {  	v1 =	vld @!p1 [tilespmem:$0x9C00];
	_ =	sdelay $0x1  }
0x196: {  	s4 =	simm.s32 @!p1 $0x9D00  }
0x197: {  	v0 =	vld.idx.msk @!p1 [tilespmem:v0+s4+$0x0], $0xffff;
	_ =	sdelay $0x3  }
0x198: {  	s5 =	simm.s32 @!p1 $0xC500  }
0x199: {  	[tilespmem:v1+s5+$0x0] =	vst.idx.add.f32.msk @!p1 $0xffff, v0  }
0x19a: {  	v0 =	vld @!p1 [tilespmem:$0x9C90];
	_ =	sdelay $0x4  }
0x19b: {  	v1 =	vld @!p1 [tilespmem:$0x9C10];
	_ =	sdelay $0x2  }
0x19c: {  	v0 =	vld.idx.msk @!p1 [tilespmem:v0+s4+$0x0], $0xffff;
	_ =	sdelay $0x4  }
0x19d: {  	[tilespmem:v1+s5+$0x0] =	vst.idx.add.f32.msk @!p1 $0xffff, v0  }
0x19e: {  	v0 =	vld @!p1 [tilespmem:$0x9CA0];
	_ =	sdelay $0x4  }
0x19f: {  	v1 =	vld @!p1 [tilespmem:$0x9C20];
	_ =	sdelay $0x2  }
0x1a0: {  	v0 =	vld.idx.msk @!p1 [tilespmem:v0+s4+$0x0], $0xffff;
	_ =	sdelay $0x4  }
0x1a1: {  	[tilespmem:v1+s5+$0x0] =	vst.idx.add.f32.msk @!p1 $0xffff, v0  }
0x1a2: {  	v0 =	vld @!p1 [tilespmem:$0x9CB0];
	_ =	sdelay $0x4  }
0x1a3: {  	v1 =	vld @!p1 [tilespmem:$0x9C30];
	_ =	sdelay $0x2  }
0x1a4: {  	v0 =	vld.idx.msk @!p1 [tilespmem:v0+s4+$0x0], $0xffff;
	_ =	sdelay $0x4  }
0x1a5: {  	[tilespmem:v1+s5+$0x0] =	vst.idx.add.f32.msk @!p1 $0xffff, v0  }
0x1a6: {  	v0 =	vld @!p1 [tilespmem:$0x9CC0];
	_ =	sdelay $0x4  }
0x1a7: {  	v1 =	vld @!p1 [tilespmem:$0x9C40];
	_ =	sdelay $0x2  }
0x1a8: {  	v0 =	vld.idx.msk @!p1 [tilespmem:v0+s4+$0x0], $0xffff;
	_ =	sdelay $0x4  }
0x1a9: {  	[tilespmem:v1+s5+$0x0] =	vst.idx.add.f32.msk @!p1 $0xffff, v0  }
0x1aa: {  	v0 =	vld @!p1 [tilespmem:$0x9CD0];
	_ =	sdelay $0x4  }
0x1ab: {  	v1 =	vld @!p1 [tilespmem:$0x9C50];
	_ =	sdelay $0x2  }
0x1ac: {  	v0 =	vld.idx.msk @!p1 [tilespmem:v0+s4+$0x0], $0xffff;
	_ =	sdelay $0x4  }
0x1ad: {  	[tilespmem:v1+s5+$0x0] =	vst.idx.add.f32.msk @!p1 $0xffff, v0  }
0x1ae: {  	v0 =	vld @!p1 [tilespmem:$0x9CE0];
	_ =	sdelay $0x4  }
0x1af: {  	v1 =	vld @!p1 [tilespmem:$0x9C60];
	_ =	sdelay $0x2  }
0x1b0: {  	v0 =	vld.idx.msk @!p1 [tilespmem:v0+s4+$0x0], $0xffff;
	_ =	sdelay $0x4  }
0x1b1: {  	[tilespmem:v1+s5+$0x0] =	vst.idx.add.f32.msk @!p1 $0xffff, v0  }
0x1b2: {  	v0 =	vld @!p1 [tilespmem:$0x9CF0];
	_ =	sdelay $0x4  }
0x1b3: {  	v1 =	vld @!p1 [tilespmem:$0x9C70];
	_ =	sdelay $0x2  }
0x1b4: {  	v0 =	vld.idx.msk @!p1 [tilespmem:v0+s4+$0x0], $0xffff;
	_ =	sdelay $0x3  }
0x1b5: {  	s28 =	simm.s32 $0x50  }
0x1b6: {  	s29 =	simm.s32 $0xF500;
	s30 =	simm.s32 $0xC500;
	s31 =	simm.s32 $0x1;
	[tilespmem:v1+s5+$0x0] =	vst.idx.add.f32.msk @!p1 $0xffff, v0  }
0x1b7: {  	[spmem:s1] =	stream.indirect.scatter.add.f32 [tilespmem:s30], [sflag:$0x1], $0x80, s29, s28, $0xb8;
	[tilespmem:$0xF800] =	vst v63  }
0x1b8: {  	_ =	swait.ge [sflag:s31], $0x2800  }
0x1b9: {  	[sflag:s31] =	ssyncset.done $0x0  }
0x1ba: {  	[sflag:s31] =	ssyncadd.s32 $0xFFFFD800  }
0x1bb: {  	[bflag:$0x0] =	sbarrier.arrive $0xFFFF  }
0x1bc: {  	_ =	sfence.sel @p0 $0x180000  }
0x1bd: {  	[bflag:$0x0] =	sbarrier.arrive @p0 $0xFFFF  }
0x1be: {  	_ =	strace @p0 $0x90000047  }
0x1bf: {  	s1 =	simm.s32 @!p0 $0x1C01;
	[bflag:$0x2] =	sbarrier.arrive @p0 $0xFFFF  }
0x1c0: {  	[hbm:s3], [sflag:s1] =	dma.local @!p0 [spmem:s2], $0x500  }
0x1c1: {  	s1 =	simm.s32 @!p0 $0x1  }
0x1c2: {  	_ =	swait.ge @!p0 [sflag:s1], $0x500  }
0x1c3: {  	[sflag:s1] =	ssyncset.done @!p0 $0x0  }
0x1c4: {  	[sflag:s1] =	ssyncadd.s32 @!p0 $0xFFFFFB00  }
0x1c5: {  	_ =	sfence.sel @!p0 $0x180000  }
0x1c6: {  	[bflag:$0x0] =	sbarrier.arrive @!p0 $0xFFFF  }
0x1c7: {  	_ =	strace @!p0 $0x90000047  }
0x1c8: {  	s0 =	sadd.s32 @!p0 $0x100000, s0;
	[bflag:$0x2] =	sbarrier.arrive @!p0 $0xFFFF  }
0x1c9: {  	[sflag:s0] =	ssyncadd.tile.s32 @!p0 $0x1;
	_ =	shalt  }
.Lfunc_end2:
_tile_overlayer_lowered:
.L_overlay_start_2:
0x1ca: {  	(tag) =	ssettag $0x2  }
0x1cb: {  	s0 =	rddreg [dreg:$0x0];
	s2 =	stileid.u32  }
0x1cc: {  	s1 =	rddreg [dreg:$0x1];
	p0 =	sne.s32 s2, $0x0  }
0x1cd: {  	s3 =	rddreg [dreg:$0x2];
	[bflag:$0x3] =	sbarrier.arrive $0xFFFF;
	s2 =	simm.s32 @!p0 $0x1C01  }
0x1ce: {  	[timem:s3], [sflag:s2] =	dma.local @!p0 [hbm:s0], s1  }
0x1cf: {  	s0 =	simm.s32 @!p0 $0x1  }
0x1d0: {  	_ =	swait.ge @!p0 [sflag:s0], s1  }
0x1d1: {  	s1 =	ssub.s32 @!p0 $0x0, s1;
	[sflag:s0] =	ssyncset.done @!p0 $0x0  }
0x1d2: {  	[sflag:s0] =	ssyncadd.s32 @!p0 s1  }
0x1d3: {  	[bflag:$0x3] =	sbarrier.arrive $0xFFFF  }
0x1d4: {  	_ =	shalt  }

</sc_bundles>
